<compile_context>
chip_gen: v7x
topology: tpu7x:2x2x1
jax: 0.10.2.dev20260603
libtpu: 0.0.44.dev20260713+nightly
codegen_flags: <defaults>
</compile_context>

<pallas_src>
import functools

import jax
import jax.numpy as jnp
from jax import lax
from jax.experimental import pallas as pl
from jax.experimental.pallas import tpu as pltpu
from jax.experimental.pallas import tpu_sc as plsc

INVALID = 0.0
_OFFSETS = [(dy, dx) for dy in (-1, 0, 1) for dx in (-1, 0, 1)
            if not (dy == 0 and dx == 0)]


def _row_shift(s, ry, R):
    if ry > 0:
        return jnp.concatenate([s[ry:, :], jnp.zeros((ry, 128), s.dtype)], 0)
    if ry < 0:
        return jnp.concatenate([jnp.zeros((-ry, 128), s.dtype), s[:ry, :]], 0)
    return s


def _fix_and_index_body(dref, gxref, gyref, fref, iref, *, H, W):
    R = H * W // 128
    K = W // 128
    d = dref[0]

    lane = lax.broadcasted_iota(jnp.int32, (R, 128), 1)
    sub = lax.broadcasted_iota(jnp.int32, (R, 128), 0) % K
    zero = jnp.zeros_like(d)
    nxt = _row_shift(d, 1, R)
    prv = _row_shift(d, -1, R)
    sxp = jnp.concatenate([d[:, 1:], nxt[:, :1]], axis=1)
    sxp = jnp.where((lane == 127) & (sub == K - 1), zero, sxp)
    sxm = jnp.concatenate([prv[:, -1:], d[:, :-1]], axis=1)
    sxm = jnp.where((lane == 0) & (sub == 0), zero, sxm)
    planes = {-1: sxm, 0: d, 1: sxp}

    out = zero
    for dy, dx in reversed([(0, 0)] + _OFFSETS):
        nv = _row_shift(planes[dx], K * dy, R)
        out = jnp.where(nv != INVALID, nv, out)
    fref[0] = out

    gx = gxref[0]
    gy = gyref[0]
    ixf = jnp.round((gx + 1.0) * (0.5 * (W - 1)))
    iyf = jnp.round((gy + 1.0) * (0.5 * (H - 1)))
    ixi = jnp.clip(ixf.astype(jnp.int32), 0, W - 1)
    iyi = jnp.clip(iyf.astype(jnp.int32), 0, H - 1)
    b = pl.program_id(0)
    iref[0] = iyi * W + ixi + b * (H * W)


def _fix_and_index(depth, gx, gy, H, W):
    B, R = depth.shape[0], depth.shape[1]
    body = functools.partial(_fix_and_index_body, H=H, W=W)
    return pl.pallas_call(
        body,
        grid=(B,),
        in_specs=[
            pl.BlockSpec((1, R, 128), lambda b: (b, 0, 0)),
            pl.BlockSpec((1, R, 128), lambda b: (b, 0, 0)),
            pl.BlockSpec((1, R, 128), lambda b: (b, 0, 0)),
        ],
        out_specs=[
            pl.BlockSpec((1, R, 128), lambda b: (b, 0, 0)),
            pl.BlockSpec((1, R, 128), lambda b: (b, 0, 0)),
        ],
        out_shape=[
            jax.ShapeDtypeStruct((B, R, 128), jnp.float32),
            jax.ShapeDtypeStruct((B, R, 128), jnp.int32),
        ],
    )(depth, gx, gy)


_NC = 2
_NS = 16
_NW = _NC * _NS
_CHUNK = 16384


def _sc_gather(f_flat, idx_flat):
    total = idx_flat.shape[0]
    per_w = total // _NW
    steps = per_w // _CHUNK
    mesh = plsc.VectorSubcoreMesh(core_axis_name="c", subcore_axis_name="s")

    @functools.partial(
        pl.kernel,
        out_type=jax.ShapeDtypeStruct((total,), jnp.float32),
        mesh=mesh,
        scratch_types=[
            pltpu.VMEM((_CHUNK,), jnp.int32),
            pltpu.VMEM((_CHUNK,), jnp.int32),
            pltpu.VMEM((_CHUNK,), jnp.float32),
            pltpu.VMEM((_CHUNK,), jnp.float32),
            pltpu.SemaphoreType.DMA,
            pltpu.SemaphoreType.DMA,
            pltpu.SemaphoreType.DMA,
            pltpu.SemaphoreType.DMA,
            pltpu.SemaphoreType.DMA,
        ],
    )
    def gather_kernel(f_hbm, idx_hbm, out_hbm, idx_v0, idx_v1, val_v0, val_v1,
                      sem_in0, sem_in1, sem_g, sem_out0, sem_out1):
        c = lax.axis_index("c")
        s = lax.axis_index("s")
        wid = s * _NC + c
        base = wid * per_w
        idx_v = (idx_v0, idx_v1)
        val_v = (val_v0, val_v1)
        sem_in = (sem_in0, sem_in1)
        sem_out = (sem_out0, sem_out1)

        pltpu.async_copy(idx_hbm.at[pl.ds(base, _CHUNK)], idx_v[0], sem_in[0])

        def outer(tt, carry):
            for b in range(2):
                t = tt * 2 + b
                off = base + t * _CHUNK
                @pl.when(t >= 2)
                def _wait_store():
                    pltpu.make_async_copy(
                        val_v[b], out_hbm.at[pl.ds(off, _CHUNK)],
                        sem_out[b]).wait()
                pltpu.make_async_copy(
                    idx_hbm.at[pl.ds(off, _CHUNK)], idx_v[b],
                    sem_in[b]).wait()
                gat = pltpu.async_copy(f_hbm.at[idx_v[b]], val_v[b], sem_g)
                @pl.when(t + 1 < steps)
                def _prefetch():
                    pltpu.async_copy(
                        idx_hbm.at[pl.ds(off + _CHUNK, _CHUNK)],
                        idx_v[1 - b], sem_in[1 - b])
                gat.wait()
                pltpu.async_copy(val_v[b], out_hbm.at[pl.ds(off, _CHUNK)],
                                 sem_out[b])
            return carry

        lax.fori_loop(0, steps // 2, outer, 0)

        for b in range(2):
            pltpu.make_async_copy(
                val_v[b], out_hbm.at[pl.ds(base, _CHUNK)],
                sem_out[b]).wait()

    return gather_kernel(f_flat, idx_flat)


def kernel(input, grid):
    B, C, H, W = input.shape
    Ho, Wo = grid.shape[1], grid.shape[2]
    R = H * W // 128
    depth = input.reshape(B, R, 128)
    gx = grid[..., 0].reshape(B, R, 128)
    gy = grid[..., 1].reshape(B, R, 128)
    hb = B // 2
    f1, idx1 = _fix_and_index(depth[:hb], gx[:hb], gy[:hb], H, W)
    o1 = _sc_gather(f1.reshape(hb * H * W), idx1.reshape(hb * Ho * Wo))
    f2, idx2 = _fix_and_index(depth[hb:], gx[hb:], gy[hb:], H, W)
    o2 = _sc_gather(f2.reshape(hb * H * W), idx2.reshape(hb * Ho * Wo))
    out_flat = jnp.concatenate([o1, o2])
    return out_flat.reshape(B, C, Ho, Wo)

# --- scband reference (transcript-rebuilt; emitter-appended) ---
"""Pipeline reference for scband-space-carver-grid-sampler-module-67757404062167 (READ-ONLY COPY).

The authoritative reference and input builder live on the scoring server;
editing this copy changes nothing except your own understanding.
"""

import jax, jax.numpy as jnp
import numpy as np

INVALID_VALUE = 0.0
FIX_SEARCH_AREA = 1


def setup_inputs(seed: int = 0) -> dict:
    key = jax.random.key(seed)
    k1, k2, k3 = jax.random.split(key, 3)
    B, C, H, W = 16, 1, 512, 512
    Ho, Wo = 512, 512
    depth = jax.random.uniform(k1, (B, C, H, W), dtype=jnp.float32) * 10.0
    # punch invalid (==invalid_value) holes so the fix-search path is exercised
    holes = jax.random.uniform(k2, (B, 1, H, W)) < 0.1
    depth = jnp.where(holes, INVALID_VALUE, depth)
    # normalized sampling grid in [-1, 1] (align_corners=True convention)
    grid = jax.random.uniform(k3, (B, Ho, Wo, 2), dtype=jnp.float32) * 2.0 - 1.0
    return {"input": depth, "grid": grid}


def reference(input, grid):
    # SpaceCarver grid sampler, MaskPlusFix mode, Zeros padding, align_corners=True.
    # Nearest-neighbor sample; if the sampled value is invalid_value, search a
    # (2*fix_search_area+1)^2 window around the nearest pixel for a valid value.
    B, C, H, W = input.shape
    s = FIX_SEARCH_AREA
    # align_corners=True: unnormalize [-1,1] -> [0, size-1]
    gx = (grid[..., 0] + 1.0) * 0.5 * (W - 1)
    gy = (grid[..., 1] + 1.0) * 0.5 * (H - 1)
    ix = jnp.round(gx).astype(jnp.int32)
    iy = jnp.round(gy).astype(jnp.int32)
    bidx = jnp.arange(B)[:, None, None]

    def gather(yy, xx):
        inb = (yy >= 0) & (yy < H) & (xx >= 0) & (xx < W)
        yyc = jnp.clip(yy, 0, H - 1)
        xxc = jnp.clip(xx, 0, W - 1)
        v = input[bidx, :, yyc, xxc]  # (B, Ho, Wo, C)
        return jnp.where(inb[..., None], v, INVALID_VALUE)

    out = gather(iy, ix)
    need = (out == INVALID_VALUE)
    for dy in range(-s, s + 1):
        for dx in range(-s, s + 1):
            if dy == 0 and dx == 0:
                continue
            nv = gather(iy + dy, ix + dx)
            rep = need & (nv != INVALID_VALUE)
            out = jnp.where(rep, nv, out)
            need = need & (~rep)
    return jnp.transpose(out, (0, 3, 1, 2))  # (B, C, Ho, Wo)

if __name__ == "__main__":
    import jax
    _d = setup_inputs()
    print(jax.jit(kernel)(*tuple(_d.values())))

</pallas_src>

<mosaic_0001>
#map = affine_map<(d0, d1) -> (0)>
module attributes {stable_mosaic.version = 14 : i64} {
  func.func @gather_kernel(%arg0: i32, %arg1: i32, %arg2: memref<2097152xf32, #tpu.memory_space<hbm>>, %arg3: memref<2097152xi32, #tpu.memory_space<hbm>>, %arg4: memref<2097152xf32, #tpu.memory_space<hbm>>, %arg5: memref<16384xi32, #tpu.memory_space<vmem>>, %arg6: memref<16384xi32, #tpu.memory_space<vmem>>, %arg7: memref<16384xf32, #tpu.memory_space<vmem>>, %arg8: memref<16384xf32, #tpu.memory_space<vmem>>, %arg9: memref<!tpu.dma_semaphore, #tpu.memory_space<semaphore_mem>>, %arg10: memref<!tpu.dma_semaphore, #tpu.memory_space<semaphore_mem>>, %arg11: memref<!tpu.dma_semaphore, #tpu.memory_space<semaphore_mem>>, %arg12: memref<!tpu.dma_semaphore, #tpu.memory_space<semaphore_mem>>, %arg13: memref<!tpu.dma_semaphore, #tpu.memory_space<semaphore_mem>>) attributes {dimension_semantics = [#tpu.dimension_semantics<core_parallel>, #tpu.dimension_semantics<subcore_parallel>], iteration_bounds = array<i64: 2, 16>, scalar_prefetch = 0 : i64, scratch_operands = 9 : i64, tpu.core_type = #tpu.core_type<sc_vector_subcore>, window_params = [{transform_indices = #map}, {transform_indices = #map}, {transform_indices = #map}]} {
    %mul3A = arith.constant 2 : i32
    %mul3A_0 = arith.muli %arg1, %mul3A : i32
    %add3A = arith.addi %mul3A_0, %arg0 : i32
    %mul3A_1 = arith.constant 65536 : i32
    %mul3A_2 = arith.muli %add3A, %mul3A_1 : i32
    %dma_start3A = tpu.memref_slice %arg3[%mul3A_2] : memref<2097152xi32, #tpu.memory_space<hbm>> -> memref<16384xi32, #tpu.memory_space<hbm>>
    %dma_start3A_3 = tpu.memref_slice %arg3[%mul3A_2] : memref<2097152xi32, #tpu.memory_space<hbm>> -> memref<16384xi32, #tpu.memory_space<hbm>>
    tpu.enqueue_dma source(%dma_start3A_3 : memref<16384xi32, #tpu.memory_space<hbm>>) target(%arg5 : memref<16384xi32, #tpu.memory_space<vmem>>) target_semaphore(%arg9 : memref<!tpu.dma_semaphore, #tpu.memory_space<semaphore_mem>>)
    %scan3A = arith.constant 0 : i32
    %scan3A_4 = arith.constant 0 : i32
    %scan3A_5 = arith.constant 2 : i32
    %scan3A_6 = arith.addi %scan3A_4, %scan3A_5 : i32
    %scan3A_7 = arith.constant 1 : i32
    scf.for %scan3A_12 = %scan3A_4 to %scan3A_6 step %scan3A_7  : i32 {
      %mul3A_13 = arith.constant 2 : i32
      %mul3A_14 = arith.muli %scan3A_12, %mul3A_13 : i32
      %add3A_15 = arith.constant 0 : i32
      %add3A_16 = arith.addi %mul3A_14, %add3A_15 : i32
      %mul3A_17 = arith.constant 16384 : i32
      %mul3A_18 = arith.muli %add3A_16, %mul3A_17 : i32
      %add3A_19 = arith.addi %mul3A_2, %mul3A_18 : i32
      %ge3A = arith.constant 2 : i32
      %ge3A_20 = arith.cmpi sge, %add3A_16, %ge3A : i32
      %convert_element_type3A = arith.extui %ge3A_20 : i1 to i32
      %cond3A = arith.constant 0 : i32
      %cond3A_21 = arith.cmpi ne, %convert_element_type3A, %cond3A : i32
      scf.if %cond3A_21 {
        %dma_wait3A_63 = tpu.memref_slice %arg4[%add3A_19] : memref<2097152xf32, #tpu.memory_space<hbm>> -> memref<16384xf32, #tpu.memory_space<hbm>>
        %dma_wait3A_64 = tpu.memref_slice %arg4[%add3A_19] : memref<2097152xf32, #tpu.memory_space<hbm>> -> memref<16384xf32, #tpu.memory_space<hbm>>
        tpu.wait_dma2 semaphore(%arg12 : memref<!tpu.dma_semaphore, #tpu.memory_space<semaphore_mem>>) src(%arg7 : memref<16384xf32, #tpu.memory_space<vmem>>) dst(%dma_wait3A_64 : memref<16384xf32, #tpu.memory_space<hbm>>)
      } else {
      }
      %dma_wait3A_22 = tpu.memref_slice %arg3[%add3A_19] : memref<2097152xi32, #tpu.memory_space<hbm>> -> memref<16384xi32, #tpu.memory_space<hbm>>
      %dma_wait3A_23 = tpu.memref_slice %arg3[%add3A_19] : memref<2097152xi32, #tpu.memory_space<hbm>> -> memref<16384xi32, #tpu.memory_space<hbm>>
      tpu.wait_dma2 semaphore(%arg9 : memref<!tpu.dma_semaphore, #tpu.memory_space<semaphore_mem>>) src(%dma_wait3A_23 : memref<16384xi32, #tpu.memory_space<hbm>>) dst(%arg5 : memref<16384xi32, #tpu.memory_space<vmem>>)
      %dma_start3A_24 = arith.constant 0 : i32
      %dma_start3A_25 = tpu.memref_slice %arg2[%dma_start3A_24] : memref<2097152xf32, #tpu.memory_space<hbm>> -> memref<2097152xf32, #tpu.memory_space<hbm>>
      tpu.enqueue_indirect_dma source(%dma_start3A_25 : memref<2097152xf32, #tpu.memory_space<hbm>>) target(%arg7 : memref<16384xf32, #tpu.memory_space<vmem>>) offsets(%arg5 : memref<16384xi32, #tpu.memory_space<vmem>>) semaphore(%arg11 : memref<!tpu.dma_semaphore, #tpu.memory_space<semaphore_mem>>)
      %add3A_26 = arith.constant 1 : i32
      %add3A_27 = arith.addi %add3A_16, %add3A_26 : i32
      %lt3A = arith.constant 4 : i32
      %lt3A_28 = arith.cmpi slt, %add3A_27, %lt3A : i32
      %convert_element_type3A_29 = arith.extui %lt3A_28 : i1 to i32
      %cond3A_30 = arith.constant 0 : i32
      %cond3A_31 = arith.cmpi ne, %convert_element_type3A_29, %cond3A_30 : i32
      scf.if %cond3A_31 {
        %add3A_63 = arith.constant 16384 : i32
        %add3A_64 = arith.addi %add3A_19, %add3A_63 : i32
        %dma_start3A_65 = tpu.memref_slice %arg3[%add3A_64] : memref<2097152xi32, #tpu.memory_space<hbm>> -> memref<16384xi32, #tpu.memory_space<hbm>>
        %dma_start3A_66 = tpu.memref_slice %arg3[%add3A_64] : memref<2097152xi32, #tpu.memory_space<hbm>> -> memref<16384xi32, #tpu.memory_space<hbm>>
        tpu.enqueue_dma source(%dma_start3A_66 : memref<16384xi32, #tpu.memory_space<hbm>>) target(%arg6 : memref<16384xi32, #tpu.memory_space<vmem>>) target_semaphore(%arg10 : memref<!tpu.dma_semaphore, #tpu.memory_space<semaphore_mem>>)
      } else {
      }
      %dma_wait3A_32 = arith.constant 0 : i32
      %dma_wait3A_33 = tpu.memref_slice %arg2[%dma_wait3A_32] : memref<2097152xf32, #tpu.memory_space<hbm>> -> memref<2097152xf32, #tpu.memory_space<hbm>>
      tpu.wait_indirect_dma semaphore(%arg11 : memref<!tpu.dma_semaphore, #tpu.memory_space<semaphore_mem>>) src(%dma_wait3A_33 : memref<2097152xf32, #tpu.memory_space<hbm>>) dst(%arg7 : memref<16384xf32, #tpu.memory_space<vmem>>)
      %dma_start3A_34 = tpu.memref_slice %arg4[%add3A_19] : memref<2097152xf32, #tpu.memory_space<hbm>> -> memref<16384xf32, #tpu.memory_space<hbm>>
      %dma_start3A_35 = tpu.memref_slice %arg4[%add3A_19] : memref<2097152xf32, #tpu.memory_space<hbm>> -> memref<16384xf32, #tpu.memory_space<hbm>>
      tpu.enqueue_dma source(%arg7 : memref<16384xf32, #tpu.memory_space<vmem>>) target(%dma_start3A_35 : memref<16384xf32, #tpu.memory_space<hbm>>) target_semaphore(%arg12 : memref<!tpu.dma_semaphore, #tpu.memory_space<semaphore_mem>>)
      %mul3A_36 = arith.constant 2 : i32
      %mul3A_37 = arith.muli %scan3A_12, %mul3A_36 : i32
      %add3A_38 = arith.constant 1 : i32
      %add3A_39 = arith.addi %mul3A_37, %add3A_38 : i32
      %mul3A_40 = arith.constant 16384 : i32
      %mul3A_41 = arith.muli %add3A_39, %mul3A_40 : i32
      %add3A_42 = arith.addi %mul3A_2, %mul3A_41 : i32
      %ge3A_43 = arith.constant 2 : i32
      %ge3A_44 = arith.cmpi sge, %add3A_39, %ge3A_43 : i32
      %convert_element_type3A_45 = arith.extui %ge3A_44 : i1 to i32
      %cond3A_46 = arith.constant 0 : i32
      %cond3A_47 = arith.cmpi ne, %convert_element_type3A_45, %cond3A_46 : i32
      scf.if %cond3A_47 {
        %dma_wait3A_63 = tpu.memref_slice %arg4[%add3A_42] : memref<2097152xf32, #tpu.memory_space<hbm>> -> memref<16384xf32, #tpu.memory_space<hbm>>
        %dma_wait3A_64 = tpu.memref_slice %arg4[%add3A_42] : memref<2097152xf32, #tpu.memory_space<hbm>> -> memref<16384xf32, #tpu.memory_space<hbm>>
        tpu.wait_dma2 semaphore(%arg13 : memref<!tpu.dma_semaphore, #tpu.memory_space<semaphore_mem>>) src(%arg8 : memref<16384xf32, #tpu.memory_space<vmem>>) dst(%dma_wait3A_64 : memref<16384xf32, #tpu.memory_space<hbm>>)
      } else {
      }
      %dma_wait3A_48 = tpu.memref_slice %arg3[%add3A_42] : memref<2097152xi32, #tpu.memory_space<hbm>> -> memref<16384xi32, #tpu.memory_space<hbm>>
      %dma_wait3A_49 = tpu.memref_slice %arg3[%add3A_42] : memref<2097152xi32, #tpu.memory_space<hbm>> -> memref<16384xi32, #tpu.memory_space<hbm>>
      tpu.wait_dma2 semaphore(%arg10 : memref<!tpu.dma_semaphore, #tpu.memory_space<semaphore_mem>>) src(%dma_wait3A_49 : memref<16384xi32, #tpu.memory_space<hbm>>) dst(%arg6 : memref<16384xi32, #tpu.memory_space<vmem>>)
      %dma_start3A_50 = arith.constant 0 : i32
      %dma_start3A_51 = tpu.memref_slice %arg2[%dma_start3A_50] : memref<2097152xf32, #tpu.memory_space<hbm>> -> memref<2097152xf32, #tpu.memory_space<hbm>>
      tpu.enqueue_indirect_dma source(%dma_start3A_51 : memref<2097152xf32, #tpu.memory_space<hbm>>) target(%arg8 : memref<16384xf32, #tpu.memory_space<vmem>>) offsets(%arg6 : memref<16384xi32, #tpu.memory_space<vmem>>) semaphore(%arg11 : memref<!tpu.dma_semaphore, #tpu.memory_space<semaphore_mem>>)
      %add3A_52 = arith.constant 1 : i32
      %add3A_53 = arith.addi %add3A_39, %add3A_52 : i32
      %lt3A_54 = arith.constant 4 : i32
      %lt3A_55 = arith.cmpi slt, %add3A_53, %lt3A_54 : i32
      %convert_element_type3A_56 = arith.extui %lt3A_55 : i1 to i32
      %cond3A_57 = arith.constant 0 : i32
      %cond3A_58 = arith.cmpi ne, %convert_element_type3A_56, %cond3A_57 : i32
      scf.if %cond3A_58 {
        %add3A_63 = arith.constant 16384 : i32
        %add3A_64 = arith.addi %add3A_42, %add3A_63 : i32
        %dma_start3A_65 = tpu.memref_slice %arg3[%add3A_64] : memref<2097152xi32, #tpu.memory_space<hbm>> -> memref<16384xi32, #tpu.memory_space<hbm>>
        %dma_start3A_66 = tpu.memref_slice %arg3[%add3A_64] : memref<2097152xi32, #tpu.memory_space<hbm>> -> memref<16384xi32, #tpu.memory_space<hbm>>
        tpu.enqueue_dma source(%dma_start3A_66 : memref<16384xi32, #tpu.memory_space<hbm>>) target(%arg5 : memref<16384xi32, #tpu.memory_space<vmem>>) target_semaphore(%arg9 : memref<!tpu.dma_semaphore, #tpu.memory_space<semaphore_mem>>)
      } else {
      }
      %dma_wait3A_59 = arith.constant 0 : i32
      %dma_wait3A_60 = tpu.memref_slice %arg2[%dma_wait3A_59] : memref<2097152xf32, #tpu.memory_space<hbm>> -> memref<2097152xf32, #tpu.memory_space<hbm>>
      tpu.wait_indirect_dma semaphore(%arg11 : memref<!tpu.dma_semaphore, #tpu.memory_space<semaphore_mem>>) src(%dma_wait3A_60 : memref<2097152xf32, #tpu.memory_space<hbm>>) dst(%arg8 : memref<16384xf32, #tpu.memory_space<vmem>>)
      %dma_start3A_61 = tpu.memref_slice %arg4[%add3A_42] : memref<2097152xf32, #tpu.memory_space<hbm>> -> memref<16384xf32, #tpu.memory_space<hbm>>
      %dma_start3A_62 = tpu.memref_slice %arg4[%add3A_42] : memref<2097152xf32, #tpu.memory_space<hbm>> -> memref<16384xf32, #tpu.memory_space<hbm>>
      tpu.enqueue_dma source(%arg8 : memref<16384xf32, #tpu.memory_space<vmem>>) target(%dma_start3A_62 : memref<16384xf32, #tpu.memory_space<hbm>>) target_semaphore(%arg13 : memref<!tpu.dma_semaphore, #tpu.memory_space<semaphore_mem>>)
    }
    %scan3A_8 = arith.constant 2 : i32
    %dma_wait3A = tpu.memref_slice %arg4[%mul3A_2] : memref<2097152xf32, #tpu.memory_space<hbm>> -> memref<16384xf32, #tpu.memory_space<hbm>>
    %dma_wait3A_9 = tpu.memref_slice %arg4[%mul3A_2] : memref<2097152xf32, #tpu.memory_space<hbm>> -> memref<16384xf32, #tpu.memory_space<hbm>>
    tpu.wait_dma2 semaphore(%arg12 : memref<!tpu.dma_semaphore, #tpu.memory_space<semaphore_mem>>) src(%arg7 : memref<16384xf32, #tpu.memory_space<vmem>>) dst(%dma_wait3A_9 : memref<16384xf32, #tpu.memory_space<hbm>>)
    %dma_wait3A_10 = tpu.memref_slice %arg4[%mul3A_2] : memref<2097152xf32, #tpu.memory_space<hbm>> -> memref<16384xf32, #tpu.memory_space<hbm>>
    %dma_wait3A_11 = tpu.memref_slice %arg4[%mul3A_2] : memref<2097152xf32, #tpu.memory_space<hbm>> -> memref<16384xf32, #tpu.memory_space<hbm>>
    tpu.wait_dma2 semaphore(%arg13 : memref<!tpu.dma_semaphore, #tpu.memory_space<semaphore_mem>>) src(%arg8 : memref<16384xf32, #tpu.memory_space<vmem>>) dst(%dma_wait3A_11 : memref<16384xf32, #tpu.memory_space<hbm>>)
    return
  }
}

#map = affine_map<(d0, d1) -> (0)>
module attributes {stable_mosaic.version = 14 : i64} {
  func.func @gather_kernel(%arg0: i32, %arg1: i32, %arg2: memref<2097152xf32, #tpu.memory_space<hbm>>, %arg3: memref<2097152xi32, #tpu.memory_space<hbm>>, %arg4: memref<2097152xf32, #tpu.memory_space<hbm>>, %arg5: memref<16384xi32, #tpu.memory_space<vmem>>, %arg6: memref<16384xi32, #tpu.memory_space<vmem>>, %arg7: memref<16384xf32, #tpu.memory_space<vmem>>, %arg8: memref<16384xf32, #tpu.memory_space<vmem>>, %arg9: memref<!tpu.dma_semaphore, #tpu.memory_space<semaphore_mem>>, %arg10: memref<!tpu.dma_semaphore, #tpu.memory_space<semaphore_mem>>, %arg11: memref<!tpu.dma_semaphore, #tpu.memory_space<semaphore_mem>>, %arg12: memref<!tpu.dma_semaphore, #tpu.memory_space<semaphore_mem>>, %arg13: memref<!tpu.dma_semaphore, #tpu.memory_space<semaphore_mem>>) attributes {dimension_semantics = [#tpu.dimension_semantics<core_parallel>, #tpu.dimension_semantics<subcore_parallel>], iteration_bounds = array<i64: 2, 16>, scalar_prefetch = 0 : i64, scratch_operands = 9 : i64, tpu.core_type = #tpu.core_type<sc_vector_subcore>, window_params = [{transform_indices = #map}, {transform_indices = #map}, {transform_indices = #map}]} {
    %mul3A = arith.constant 2 : i32
    %mul3A_0 = arith.muli %arg1, %mul3A : i32
    %add3A = arith.addi %mul3A_0, %arg0 : i32
    %mul3A_1 = arith.constant 65536 : i32
    %mul3A_2 = arith.muli %add3A, %mul3A_1 : i32
    %dma_start3A = tpu.memref_slice %arg3[%mul3A_2] : memref<2097152xi32, #tpu.memory_space<hbm>> -> memref<16384xi32, #tpu.memory_space<hbm>>
    %dma_start3A_3 = tpu.memref_slice %arg3[%mul3A_2] : memref<2097152xi32, #tpu.memory_space<hbm>> -> memref<16384xi32, #tpu.memory_space<hbm>>
    tpu.enqueue_dma source(%dma_start3A_3 : memref<16384xi32, #tpu.memory_space<hbm>>) target(%arg5 : memref<16384xi32, #tpu.memory_space<vmem>>) target_semaphore(%arg9 : memref<!tpu.dma_semaphore, #tpu.memory_space<semaphore_mem>>)
    %scan3A = arith.constant 0 : i32
    %scan3A_4 = arith.constant 0 : i32
    %scan3A_5 = arith.constant 2 : i32
    %scan3A_6 = arith.addi %scan3A_4, %scan3A_5 : i32
    %scan3A_7 = arith.constant 1 : i32
    scf.for %scan3A_12 = %scan3A_4 to %scan3A_6 step %scan3A_7  : i32 {
      %mul3A_13 = arith.constant 2 : i32
      %mul3A_14 = arith.muli %scan3A_12, %mul3A_13 : i32
      %add3A_15 = arith.constant 0 : i32
      %add3A_16 = arith.addi %mul3A_14, %add3A_15 : i32
      %mul3A_17 = arith.constant 16384 : i32
      %mul3A_18 = arith.muli %add3A_16, %mul3A_17 : i32
      %add3A_19 = arith.addi %mul3A_2, %mul3A_18 : i32
      %ge3A = arith.constant 2 : i32
      %ge3A_20 = arith.cmpi sge, %add3A_16, %ge3A : i32
      %convert_element_type3A = arith.extui %ge3A_20 : i1 to i32
      %cond3A = arith.constant 0 : i32
      %cond3A_21 = arith.cmpi ne, %convert_element_type3A, %cond3A : i32
      scf.if %cond3A_21 {
        %dma_wait3A_63 = tpu.memref_slice %arg4[%add3A_19] : memref<2097152xf32, #tpu.memory_space<hbm>> -> memref<16384xf32, #tpu.memory_space<hbm>>
        %dma_wait3A_64 = tpu.memref_slice %arg4[%add3A_19] : memref<2097152xf32, #tpu.memory_space<hbm>> -> memref<16384xf32, #tpu.memory_space<hbm>>
        tpu.wait_dma2 semaphore(%arg12 : memref<!tpu.dma_semaphore, #tpu.memory_space<semaphore_mem>>) src(%arg7 : memref<16384xf32, #tpu.memory_space<vmem>>) dst(%dma_wait3A_64 : memref<16384xf32, #tpu.memory_space<hbm>>)
      } else {
      }
      %dma_wait3A_22 = tpu.memref_slice %arg3[%add3A_19] : memref<2097152xi32, #tpu.memory_space<hbm>> -> memref<16384xi32, #tpu.memory_space<hbm>>
      %dma_wait3A_23 = tpu.memref_slice %arg3[%add3A_19] : memref<2097152xi32, #tpu.memory_space<hbm>> -> memref<16384xi32, #tpu.memory_space<hbm>>
      tpu.wait_dma2 semaphore(%arg9 : memref<!tpu.dma_semaphore, #tpu.memory_space<semaphore_mem>>) src(%dma_wait3A_23 : memref<16384xi32, #tpu.memory_space<hbm>>) dst(%arg5 : memref<16384xi32, #tpu.memory_space<vmem>>)
      %dma_start3A_24 = arith.constant 0 : i32
      %dma_start3A_25 = tpu.memref_slice %arg2[%dma_start3A_24] : memref<2097152xf32, #tpu.memory_space<hbm>> -> memref<2097152xf32, #tpu.memory_space<hbm>>
      tpu.enqueue_indirect_dma source(%dma_start3A_25 : memref<2097152xf32, #tpu.memory_space<hbm>>) target(%arg7 : memref<16384xf32, #tpu.memory_space<vmem>>) offsets(%arg5 : memref<16384xi32, #tpu.memory_space<vmem>>) semaphore(%arg11 : memref<!tpu.dma_semaphore, #tpu.memory_space<semaphore_mem>>)
      %add3A_26 = arith.constant 1 : i32
      %add3A_27 = arith.addi %add3A_16, %add3A_26 : i32
      %lt3A = arith.constant 4 : i32
      %lt3A_28 = arith.cmpi slt, %add3A_27, %lt3A : i32
      %convert_element_type3A_29 = arith.extui %lt3A_28 : i1 to i32
      %cond3A_30 = arith.constant 0 : i32
      %cond3A_31 = arith.cmpi ne, %convert_element_type3A_29, %cond3A_30 : i32
      scf.if %cond3A_31 {
        %add3A_63 = arith.constant 16384 : i32
        %add3A_64 = arith.addi %add3A_19, %add3A_63 : i32
        %dma_start3A_65 = tpu.memref_slice %arg3[%add3A_64] : memref<2097152xi32, #tpu.memory_space<hbm>> -> memref<16384xi32, #tpu.memory_space<hbm>>
        %dma_start3A_66 = tpu.memref_slice %arg3[%add3A_64] : memref<2097152xi32, #tpu.memory_space<hbm>> -> memref<16384xi32, #tpu.memory_space<hbm>>
        tpu.enqueue_dma source(%dma_start3A_66 : memref<16384xi32, #tpu.memory_space<hbm>>) target(%arg6 : memref<16384xi32, #tpu.memory_space<vmem>>) target_semaphore(%arg10 : memref<!tpu.dma_semaphore, #tpu.memory_space<semaphore_mem>>)
      } else {
      }
      %dma_wait3A_32 = arith.constant 0 : i32
      %dma_wait3A_33 = tpu.memref_slice %arg2[%dma_wait3A_32] : memref<2097152xf32, #tpu.memory_space<hbm>> -> memref<2097152xf32, #tpu.memory_space<hbm>>
      tpu.wait_indirect_dma semaphore(%arg11 : memref<!tpu.dma_semaphore, #tpu.memory_space<semaphore_mem>>) src(%dma_wait3A_33 : memref<2097152xf32, #tpu.memory_space<hbm>>) dst(%arg7 : memref<16384xf32, #tpu.memory_space<vmem>>)
      %dma_start3A_34 = tpu.memref_slice %arg4[%add3A_19] : memref<2097152xf32, #tpu.memory_space<hbm>> -> memref<16384xf32, #tpu.memory_space<hbm>>
      %dma_start3A_35 = tpu.memref_slice %arg4[%add3A_19] : memref<2097152xf32, #tpu.memory_space<hbm>> -> memref<16384xf32, #tpu.memory_space<hbm>>
      tpu.enqueue_dma source(%arg7 : memref<16384xf32, #tpu.memory_space<vmem>>) target(%dma_start3A_35 : memref<16384xf32, #tpu.memory_space<hbm>>) target_semaphore(%arg12 : memref<!tpu.dma_semaphore, #tpu.memory_space<semaphore_mem>>)
      %mul3A_36 = arith.constant 2 : i32
      %mul3A_37 = arith.muli %scan3A_12, %mul3A_36 : i32
      %add3A_38 = arith.constant 1 : i32
      %add3A_39 = arith.addi %mul3A_37, %add3A_38 : i32
      %mul3A_40 = arith.constant 16384 : i32
      %mul3A_41 = arith.muli %add3A_39, %mul3A_40 : i32
      %add3A_42 = arith.addi %mul3A_2, %mul3A_41 : i32
      %ge3A_43 = arith.constant 2 : i32
      %ge3A_44 = arith.cmpi sge, %add3A_39, %ge3A_43 : i32
      %convert_element_type3A_45 = arith.extui %ge3A_44 : i1 to i32
      %cond3A_46 = arith.constant 0 : i32
      %cond3A_47 = arith.cmpi ne, %convert_element_type3A_45, %cond3A_46 : i32
      scf.if %cond3A_47 {
        %dma_wait3A_63 = tpu.memref_slice %arg4[%add3A_42] : memref<2097152xf32, #tpu.memory_space<hbm>> -> memref<16384xf32, #tpu.memory_space<hbm>>
        %dma_wait3A_64 = tpu.memref_slice %arg4[%add3A_42] : memref<2097152xf32, #tpu.memory_space<hbm>> -> memref<16384xf32, #tpu.memory_space<hbm>>
        tpu.wait_dma2 semaphore(%arg13 : memref<!tpu.dma_semaphore, #tpu.memory_space<semaphore_mem>>) src(%arg8 : memref<16384xf32, #tpu.memory_space<vmem>>) dst(%dma_wait3A_64 : memref<16384xf32, #tpu.memory_space<hbm>>)
      } else {
      }
      %dma_wait3A_48 = tpu.memref_slice %arg3[%add3A_42] : memref<2097152xi32, #tpu.memory_space<hbm>> -> memref<16384xi32, #tpu.memory_space<hbm>>
      %dma_wait3A_49 = tpu.memref_slice %arg3[%add3A_42] : memref<2097152xi32, #tpu.memory_space<hbm>> -> memref<16384xi32, #tpu.memory_space<hbm>>
      tpu.wait_dma2 semaphore(%arg10 : memref<!tpu.dma_semaphore, #tpu.memory_space<semaphore_mem>>) src(%dma_wait3A_49 : memref<16384xi32, #tpu.memory_space<hbm>>) dst(%arg6 : memref<16384xi32, #tpu.memory_space<vmem>>)
      %dma_start3A_50 = arith.constant 0 : i32
      %dma_start3A_51 = tpu.memref_slice %arg2[%dma_start3A_50] : memref<2097152xf32, #tpu.memory_space<hbm>> -> memref<2097152xf32, #tpu.memory_space<hbm>>
      tpu.enqueue_indirect_dma source(%dma_start3A_51 : memref<2097152xf32, #tpu.memory_space<hbm>>) target(%arg8 : memref<16384xf32, #tpu.memory_space<vmem>>) offsets(%arg6 : memref<16384xi32, #tpu.memory_space<vmem>>) semaphore(%arg11 : memref<!tpu.dma_semaphore, #tpu.memory_space<semaphore_mem>>)
      %add3A_52 = arith.constant 1 : i32
      %add3A_53 = arith.addi %add3A_39, %add3A_52 : i32
      %lt3A_54 = arith.constant 4 : i32
      %lt3A_55 = arith.cmpi slt, %add3A_53, %lt3A_54 : i32
      %convert_element_type3A_56 = arith.extui %lt3A_55 : i1 to i32
      %cond3A_57 = arith.constant 0 : i32
      %cond3A_58 = arith.cmpi ne, %convert_element_type3A_56, %cond3A_57 : i32
      scf.if %cond3A_58 {
        %add3A_63 = arith.constant 16384 : i32
        %add3A_64 = arith.addi %add3A_42, %add3A_63 : i32
        %dma_start3A_65 = tpu.memref_slice %arg3[%add3A_64] : memref<2097152xi32, #tpu.memory_space<hbm>> -> memref<16384xi32, #tpu.memory_space<hbm>>
        %dma_start3A_66 = tpu.memref_slice %arg3[%add3A_64] : memref<2097152xi32, #tpu.memory_space<hbm>> -> memref<16384xi32, #tpu.memory_space<hbm>>
        tpu.enqueue_dma source(%dma_start3A_66 : memref<16384xi32, #tpu.memory_space<hbm>>) target(%arg5 : memref<16384xi32, #tpu.memory_space<vmem>>) target_semaphore(%arg9 : memref<!tpu.dma_semaphore, #tpu.memory_space<semaphore_mem>>)
      } else {
      }
      %dma_wait3A_59 = arith.constant 0 : i32
      %dma_wait3A_60 = tpu.memref_slice %arg2[%dma_wait3A_59] : memref<2097152xf32, #tpu.memory_space<hbm>> -> memref<2097152xf32, #tpu.memory_space<hbm>>
      tpu.wait_indirect_dma semaphore(%arg11 : memref<!tpu.dma_semaphore, #tpu.memory_space<semaphore_mem>>) src(%dma_wait3A_60 : memref<2097152xf32, #tpu.memory_space<hbm>>) dst(%arg8 : memref<16384xf32, #tpu.memory_space<vmem>>)
      %dma_start3A_61 = tpu.memref_slice %arg4[%add3A_42] : memref<2097152xf32, #tpu.memory_space<hbm>> -> memref<16384xf32, #tpu.memory_space<hbm>>
      %dma_start3A_62 = tpu.memref_slice %arg4[%add3A_42] : memref<2097152xf32, #tpu.memory_space<hbm>> -> memref<16384xf32, #tpu.memory_space<hbm>>
      tpu.enqueue_dma source(%arg8 : memref<16384xf32, #tpu.memory_space<vmem>>) target(%dma_start3A_62 : memref<16384xf32, #tpu.memory_space<hbm>>) target_semaphore(%arg13 : memref<!tpu.dma_semaphore, #tpu.memory_space<semaphore_mem>>)
    }
    %scan3A_8 = arith.constant 2 : i32
    %dma_wait3A = tpu.memref_slice %arg4[%mul3A_2] : memref<2097152xf32, #tpu.memory_space<hbm>> -> memref<16384xf32, #tpu.memory_space<hbm>>
    %dma_wait3A_9 = tpu.memref_slice %arg4[%mul3A_2] : memref<2097152xf32, #tpu.memory_space<hbm>> -> memref<16384xf32, #tpu.memory_space<hbm>>
    tpu.wait_dma2 semaphore(%arg12 : memref<!tpu.dma_semaphore, #tpu.memory_space<semaphore_mem>>) src(%arg7 : memref<16384xf32, #tpu.memory_space<vmem>>) dst(%dma_wait3A_9 : memref<16384xf32, #tpu.memory_space<hbm>>)
    %dma_wait3A_10 = tpu.memref_slice %arg4[%mul3A_2] : memref<2097152xf32, #tpu.memory_space<hbm>> -> memref<16384xf32, #tpu.memory_space<hbm>>
    %dma_wait3A_11 = tpu.memref_slice %arg4[%mul3A_2] : memref<2097152xf32, #tpu.memory_space<hbm>> -> memref<16384xf32, #tpu.memory_space<hbm>>
    tpu.wait_dma2 semaphore(%arg13 : memref<!tpu.dma_semaphore, #tpu.memory_space<semaphore_mem>>) src(%arg8 : memref<16384xf32, #tpu.memory_space<vmem>>) dst(%dma_wait3A_11 : memref<16384xf32, #tpu.memory_space<hbm>>)
    return
  }
}

module attributes {stable_mosaic.version = 14 : i64} {
  func.func @_fix_and_index_body(%arg0: i32, %arg1: memref<1x2048x128xf32, #tpu.memory_space<vmem>>, %arg2: memref<1x2048x128xf32, #tpu.memory_space<vmem>>, %arg3: memref<1x2048x128xf32, #tpu.memory_space<vmem>>, %arg4: memref<1x2048x128xf32, #tpu.memory_space<vmem>>, %arg5: memref<1x2048x128xi32, #tpu.memory_space<vmem>>) attributes {dimension_semantics = [#tpu.dimension_semantics<arbitrary>], iteration_bounds = array<i64: 8>, scalar_prefetch = 0 : i64, scratch_operands = 0 : i64, tpu.core_type = #tpu.core_type<tc>, window_params = [{transform_indices = @transform_0, window_bounds = array<i64: 1, 2048, 128>}, {transform_indices = @transform_1, window_bounds = array<i64: 1, 2048, 128>}, {transform_indices = @transform_2, window_bounds = array<i64: 1, 2048, 128>}, {transform_indices = @transform_3, window_bounds = array<i64: 1, 2048, 128>}, {transform_indices = @transform_4, window_bounds = array<i64: 1, 2048, 128>}]} {
    %get3A = arith.constant 0 : index
    %get3A_0 = arith.constant 0 : index
    %get3A_1 = arith.constant 0 : index
    %get3A_2 = vector.load %arg1[%get3A, %get3A_0, %get3A_1] : memref<1x2048x128xf32, #tpu.memory_space<vmem>>, vector<1x2048x128xf32>
    %get3A_3 = vector.shape_cast %get3A_2 : vector<1x2048x128xf32> to vector<2048x128xf32>
    %iota3A = tpu.iota {dimensions = array<i32: 1>} : vector<2048x128xi32>
    %iota3A_4 = tpu.iota {dimensions = array<i32: 0>} : vector<2048x128xi32>
    %jit3A = arith.constant 4 : i32
    %eq3A = arith.constant 0 : i32
    %eq3A_5 = arith.cmpi eq, %jit3A, %eq3A : i32
    %jit3A_6 = arith.constant 1 : i32
    %select_n3A = arith.select %eq3A_5, %jit3A_6, %jit3A : i32
    %rem3A = vector.broadcast %select_n3A : i32 to vector<2048x128xi32>
    %rem3A_7 = arith.remsi %iota3A_4, %rem3A : vector<2048x128xi32>
    %ne3A = arith.constant 0 : i32
    %ne3A_8 = vector.broadcast %ne3A : i32 to vector<2048x128xi32>
    %ne3A_9 = arith.cmpi ne, %rem3A_7, %ne3A_8 : vector<2048x128xi32>
    %lt3A = arith.constant 0 : i32
    %lt3A_10 = vector.broadcast %lt3A : i32 to vector<2048x128xi32>
    %lt3A_11 = arith.cmpi slt, %rem3A_7, %lt3A_10 : vector<2048x128xi32>
    %lt3A_12 = arith.constant 0 : i32
    %lt3A_13 = arith.cmpi slt, %select_n3A, %lt3A_12 : i32
    %ne3A_14 = vector.broadcast %lt3A_13 : i1 to vector<2048x128xi1>
    %ne3A_15 = vector.broadcast %ne3A_14 : vector<2048x128xi1> to vector<2048x128xi1>
    %ne3A_16 = arith.xori %lt3A_11, %ne3A_15 : vector<2048x128xi1>
    %and3A = arith.andi %ne3A_16, %ne3A_9 : vector<2048x128xi1>
    %add3A = vector.broadcast %select_n3A : i32 to vector<2048x128xi32>
    %add3A_17 = arith.addi %rem3A_7, %add3A : vector<2048x128xi32>
    %select_n3A_18 = arith.select %and3A, %add3A_17, %rem3A_7 : vector<2048x128xi1>, vector<2048x128xi32>
    %broadcast_in_dim3A = arith.constant 0.000000e+00 : f32
    %broadcast_in_dim3A_19 = vector.broadcast %broadcast_in_dim3A : f32 to vector<2048x128xf32>
    %slice3A = vector.extract_strided_slice %get3A_3 {offsets = [1, 0], sizes = [2047, 128], strides = [1, 1]} : vector<2048x128xf32> to vector<2047x128xf32>
    %broadcast_in_dim3A_20 = arith.constant 0.000000e+00 : f32
    %broadcast_in_dim3A_21 = vector.broadcast %broadcast_in_dim3A_20 : f32 to vector<1x128xf32>
    %concatenate3A = tpu.concatenate %slice3A, %broadcast_in_dim3A_21 in 0 : vector<2047x128xf32>, vector<1x128xf32> -> vector<2048x128xf32>
    %broadcast_in_dim3A_22 = arith.constant 0.000000e+00 : f32
    %broadcast_in_dim3A_23 = vector.broadcast %broadcast_in_dim3A_22 : f32 to vector<1x128xf32>
    %slice3A_24 = vector.extract_strided_slice %get3A_3 {offsets = [0, 0], sizes = [2047, 128], strides = [1, 1]} : vector<2048x128xf32> to vector<2047x128xf32>
    %concatenate3A_25 = tpu.concatenate %broadcast_in_dim3A_23, %slice3A_24 in 0 : vector<1x128xf32>, vector<2047x128xf32> -> vector<2048x128xf32>
    %slice3A_26 = vector.extract_strided_slice %get3A_3 {offsets = [0, 1], sizes = [2048, 127], strides = [1, 1]} : vector<2048x128xf32> to vector<2048x127xf32>
    %slice3A_27 = vector.extract_strided_slice %concatenate3A {offsets = [0, 0], sizes = [2048, 1], strides = [1, 1]} : vector<2048x128xf32> to vector<2048x1xf32>
    %concatenate3A_28 = tpu.concatenate %slice3A_26, %slice3A_27 in 1 : vector<2048x127xf32>, vector<2048x1xf32> -> vector<2048x128xf32>
    %eq3A_29 = arith.constant 127 : i32
    %eq3A_30 = vector.broadcast %eq3A_29 : i32 to vector<2048x128xi32>
    %eq3A_31 = arith.cmpi eq, %iota3A, %eq3A_30 : vector<2048x128xi32>
    %eq3A_32 = arith.constant 3 : i32
    %eq3A_33 = vector.broadcast %eq3A_32 : i32 to vector<2048x128xi32>
    %eq3A_34 = arith.cmpi eq, %select_n3A_18, %eq3A_33 : vector<2048x128xi32>
    %and3A_35 = arith.andi %eq3A_31, %eq3A_34 : vector<2048x128xi1>
    %select_n3A_36 = arith.select %and3A_35, %broadcast_in_dim3A_19, %concatenate3A_28 : vector<2048x128xi1>, vector<2048x128xf32>
    %slice3A_37 = vector.extract_strided_slice %concatenate3A_25 {offsets = [0, 127], sizes = [2048, 1], strides = [1, 1]} : vector<2048x128xf32> to vector<2048x1xf32>
    %slice3A_38 = vector.extract_strided_slice %get3A_3 {offsets = [0, 0], sizes = [2048, 127], strides = [1, 1]} : vector<2048x128xf32> to vector<2048x127xf32>
    %concatenate3A_39 = tpu.concatenate %slice3A_37, %slice3A_38 in 1 : vector<2048x1xf32>, vector<2048x127xf32> -> vector<2048x128xf32>
    %eq3A_40 = arith.constant 0 : i32
    %eq3A_41 = vector.broadcast %eq3A_40 : i32 to vector<2048x128xi32>
    %eq3A_42 = arith.cmpi eq, %iota3A, %eq3A_41 : vector<2048x128xi32>
    %eq3A_43 = arith.constant 0 : i32
    %eq3A_44 = vector.broadcast %eq3A_43 : i32 to vector<2048x128xi32>
    %eq3A_45 = arith.cmpi eq, %select_n3A_18, %eq3A_44 : vector<2048x128xi32>
    %and3A_46 = arith.andi %eq3A_42, %eq3A_45 : vector<2048x128xi1>
    %select_n3A_47 = arith.select %and3A_46, %broadcast_in_dim3A_19, %concatenate3A_39 : vector<2048x128xi1>, vector<2048x128xf32>
    %slice3A_48 = vector.extract_strided_slice %select_n3A_36 {offsets = [4, 0], sizes = [2044, 128], strides = [1, 1]} : vector<2048x128xf32> to vector<2044x128xf32>
    %broadcast_in_dim3A_49 = arith.constant 0.000000e+00 : f32
    %broadcast_in_dim3A_50 = vector.broadcast %broadcast_in_dim3A_49 : f32 to vector<4x128xf32>
    %concatenate3A_51 = tpu.concatenate %slice3A_48, %broadcast_in_dim3A_50 in 0 : vector<2044x128xf32>, vector<4x128xf32> -> vector<2048x128xf32>
    %ne3A_52 = arith.constant 0.000000e+00 : f32
    %ne3A_53 = vector.broadcast %ne3A_52 : f32 to vector<2048x128xf32>
    %ne3A_54 = arith.cmpf one, %concatenate3A_51, %ne3A_53 : vector<2048x128xf32>
    %select_n3A_55 = arith.select %ne3A_54, %concatenate3A_51, %broadcast_in_dim3A_19 : vector<2048x128xi1>, vector<2048x128xf32>
    %slice3A_56 = vector.extract_strided_slice %get3A_3 {offsets = [4, 0], sizes = [2044, 128], strides = [1, 1]} : vector<2048x128xf32> to vector<2044x128xf32>
    %broadcast_in_dim3A_57 = arith.constant 0.000000e+00 : f32
    %broadcast_in_dim3A_58 = vector.broadcast %broadcast_in_dim3A_57 : f32 to vector<4x128xf32>
    %concatenate3A_59 = tpu.concatenate %slice3A_56, %broadcast_in_dim3A_58 in 0 : vector<2044x128xf32>, vector<4x128xf32> -> vector<2048x128xf32>
    %ne3A_60 = arith.constant 0.000000e+00 : f32
    %ne3A_61 = vector.broadcast %ne3A_60 : f32 to vector<2048x128xf32>
    %ne3A_62 = arith.cmpf one, %concatenate3A_59, %ne3A_61 : vector<2048x128xf32>
    %select_n3A_63 = arith.select %ne3A_62, %concatenate3A_59, %select_n3A_55 : vector<2048x128xi1>, vector<2048x128xf32>
    %slice3A_64 = vector.extract_strided_slice %select_n3A_47 {offsets = [4, 0], sizes = [2044, 128], strides = [1, 1]} : vector<2048x128xf32> to vector<2044x128xf32>
    %broadcast_in_dim3A_65 = arith.constant 0.000000e+00 : f32
    %broadcast_in_dim3A_66 = vector.broadcast %broadcast_in_dim3A_65 : f32 to vector<4x128xf32>
    %concatenate3A_67 = tpu.concatenate %slice3A_64, %broadcast_in_dim3A_66 in 0 : vector<2044x128xf32>, vector<4x128xf32> -> vector<2048x128xf32>
    %ne3A_68 = arith.constant 0.000000e+00 : f32
    %ne3A_69 = vector.broadcast %ne3A_68 : f32 to vector<2048x128xf32>
    %ne3A_70 = arith.cmpf one, %concatenate3A_67, %ne3A_69 : vector<2048x128xf32>
    %select_n3A_71 = arith.select %ne3A_70, %concatenate3A_67, %select_n3A_63 : vector<2048x128xi1>, vector<2048x128xf32>
    %ne3A_72 = arith.constant 0.000000e+00 : f32
    %ne3A_73 = vector.broadcast %ne3A_72 : f32 to vector<2048x128xf32>
    %ne3A_74 = arith.cmpf one, %select_n3A_36, %ne3A_73 : vector<2048x128xf32>
    %select_n3A_75 = arith.select %ne3A_74, %select_n3A_36, %select_n3A_71 : vector<2048x128xi1>, vector<2048x128xf32>
    %ne3A_76 = arith.constant 0.000000e+00 : f32
    %ne3A_77 = vector.broadcast %ne3A_76 : f32 to vector<2048x128xf32>
    %ne3A_78 = arith.cmpf one, %select_n3A_47, %ne3A_77 : vector<2048x128xf32>
    %select_n3A_79 = arith.select %ne3A_78, %select_n3A_47, %select_n3A_75 : vector<2048x128xi1>, vector<2048x128xf32>
    %broadcast_in_dim3A_80 = arith.constant 0.000000e+00 : f32
    %broadcast_in_dim3A_81 = vector.broadcast %broadcast_in_dim3A_80 : f32 to vector<4x128xf32>
    %slice3A_82 = vector.extract_strided_slice %select_n3A_36 {offsets = [0, 0], sizes = [2044, 128], strides = [1, 1]} : vector<2048x128xf32> to vector<2044x128xf32>
    %concatenate3A_83 = tpu.concatenate %broadcast_in_dim3A_81, %slice3A_82 in 0 : vector<4x128xf32>, vector<2044x128xf32> -> vector<2048x128xf32>
    %ne3A_84 = arith.constant 0.000000e+00 : f32
    %ne3A_85 = vector.broadcast %ne3A_84 : f32 to vector<2048x128xf32>
    %ne3A_86 = arith.cmpf one, %concatenate3A_83, %ne3A_85 : vector<2048x128xf32>
    %select_n3A_87 = arith.select %ne3A_86, %concatenate3A_83, %select_n3A_79 : vector<2048x128xi1>, vector<2048x128xf32>
    %broadcast_in_dim3A_88 = arith.constant 0.000000e+00 : f32
    %broadcast_in_dim3A_89 = vector.broadcast %broadcast_in_dim3A_88 : f32 to vector<4x128xf32>
    %slice3A_90 = vector.extract_strided_slice %get3A_3 {offsets = [0, 0], sizes = [2044, 128], strides = [1, 1]} : vector<2048x128xf32> to vector<2044x128xf32>
    %concatenate3A_91 = tpu.concatenate %broadcast_in_dim3A_89, %slice3A_90 in 0 : vector<4x128xf32>, vector<2044x128xf32> -> vector<2048x128xf32>
    %ne3A_92 = arith.constant 0.000000e+00 : f32
    %ne3A_93 = vector.broadcast %ne3A_92 : f32 to vector<2048x128xf32>
    %ne3A_94 = arith.cmpf one, %concatenate3A_91, %ne3A_93 : vector<2048x128xf32>
    %select_n3A_95 = arith.select %ne3A_94, %concatenate3A_91, %select_n3A_87 : vector<2048x128xi1>, vector<2048x128xf32>
    %broadcast_in_dim3A_96 = arith.constant 0.000000e+00 : f32
    %broadcast_in_dim3A_97 = vector.broadcast %broadcast_in_dim3A_96 : f32 to vector<4x128xf32>
    %slice3A_98 = vector.extract_strided_slice %select_n3A_47 {offsets = [0, 0], sizes = [2044, 128], strides = [1, 1]} : vector<2048x128xf32> to vector<2044x128xf32>
    %concatenate3A_99 = tpu.concatenate %broadcast_in_dim3A_97, %slice3A_98 in 0 : vector<4x128xf32>, vector<2044x128xf32> -> vector<2048x128xf32>
    %ne3A_100 = arith.constant 0.000000e+00 : f32
    %ne3A_101 = vector.broadcast %ne3A_100 : f32 to vector<2048x128xf32>
    %ne3A_102 = arith.cmpf one, %concatenate3A_99, %ne3A_101 : vector<2048x128xf32>
    %select_n3A_103 = arith.select %ne3A_102, %concatenate3A_99, %select_n3A_95 : vector<2048x128xi1>, vector<2048x128xf32>
    %ne3A_104 = arith.constant 0.000000e+00 : f32
    %ne3A_105 = vector.broadcast %ne3A_104 : f32 to vector<2048x128xf32>
    %ne3A_106 = arith.cmpf one, %get3A_3, %ne3A_105 : vector<2048x128xf32>
    %select_n3A_107 = arith.select %ne3A_106, %get3A_3, %select_n3A_103 : vector<2048x128xi1>, vector<2048x128xf32>
    %swap3A = arith.constant 0 : index
    %swap3A_108 = arith.constant 0 : index
    %swap3A_109 = arith.constant 0 : index
    %swap3A_110 = vector.load %arg4[%swap3A, %swap3A_108, %swap3A_109] : memref<1x2048x128xf32, #tpu.memory_space<vmem>>, vector<1x2048x128xf32>
    %swap3A_111 = vector.shape_cast %swap3A_110 : vector<1x2048x128xf32> to vector<2048x128xf32>
    %swap3A_112 = vector.shape_cast %select_n3A_107 : vector<2048x128xf32> to vector<1x2048x128xf32>
    tpu.vector_store %arg4[%swap3A, %swap3A_108, %swap3A_109], %swap3A_112 {strides = array<i32>} : memref<1x2048x128xf32, #tpu.memory_space<vmem>>, vector<1x2048x128xf32>,
    %get3A_113 = arith.constant 0 : index
    %get3A_114 = arith.constant 0 : index
    %get3A_115 = arith.constant 0 : index
    %get3A_116 = vector.load %arg2[%get3A_113, %get3A_114, %get3A_115] : memref<1x2048x128xf32, #tpu.memory_space<vmem>>, vector<1x2048x128xf32>
    %get3A_117 = vector.shape_cast %get3A_116 : vector<1x2048x128xf32> to vector<2048x128xf32>
    %get3A_118 = arith.constant 0 : index
    %get3A_119 = arith.constant 0 : index
    %get3A_120 = arith.constant 0 : index
    %get3A_121 = vector.load %arg3[%get3A_118, %get3A_119, %get3A_120] : memref<1x2048x128xf32, #tpu.memory_space<vmem>>, vector<1x2048x128xf32>
    %get3A_122 = vector.shape_cast %get3A_121 : vector<1x2048x128xf32> to vector<2048x128xf32>
    %add3A_123 = arith.constant 1.000000e+00 : f32
    %add3A_124 = vector.broadcast %add3A_123 : f32 to vector<2048x128xf32>
    %add3A_125 = arith.addf %get3A_117, %add3A_124 : vector<2048x128xf32>
    %mul3A = arith.constant 2.555000e+02 : f32
    %mul3A_126 = vector.broadcast %mul3A : f32 to vector<2048x128xf32>
    %mul3A_127 = arith.mulf %add3A_125, %mul3A_126 : vector<2048x128xf32>
    %round3A = math.roundeven %mul3A_127 : vector<2048x128xf32>
    %add3A_128 = arith.constant 1.000000e+00 : f32
    %add3A_129 = vector.broadcast %add3A_128 : f32 to vector<2048x128xf32>
    %add3A_130 = arith.addf %get3A_122, %add3A_129 : vector<2048x128xf32>
    %mul3A_131 = arith.constant 2.555000e+02 : f32
    %mul3A_132 = vector.broadcast %mul3A_131 : f32 to vector<2048x128xf32>
    %mul3A_133 = arith.mulf %add3A_130, %mul3A_132 : vector<2048x128xf32>
    %round3A_134 = math.roundeven %mul3A_133 : vector<2048x128xf32>
    %convert_element_type3A = arith.fptosi %round3A : vector<2048x128xf32> to vector<2048x128xi32>
    %jit3A_135 = arith.constant 0 : i32
    %jit3A_136 = arith.constant 511 : i32
    %max3A = vector.broadcast %jit3A_135 : i32 to vector<2048x128xi32>
    %max3A_137 = arith.maxsi %max3A, %convert_element_type3A : vector<2048x128xi32>
    %min3A = vector.broadcast %jit3A_136 : i32 to vector<2048x128xi32>
    %min3A_138 = arith.minsi %min3A, %max3A_137 : vector<2048x128xi32>
    %convert_element_type3A_139 = arith.fptosi %round3A_134 : vector<2048x128xf32> to vector<2048x128xi32>
    %jit3A_140 = arith.constant 0 : i32
    %jit3A_141 = arith.constant 511 : i32
    %max3A_142 = vector.broadcast %jit3A_140 : i32 to vector<2048x128xi32>
    %max3A_143 = arith.maxsi %max3A_142, %convert_element_type3A_139 : vector<2048x128xi32>
    %min3A_144 = vector.broadcast %jit3A_141 : i32 to vector<2048x128xi32>
    %min3A_145 = arith.minsi %min3A_144, %max3A_143 : vector<2048x128xi32>
    %mul3A_146 = arith.constant 512 : i32
    %mul3A_147 = vector.broadcast %mul3A_146 : i32 to vector<2048x128xi32>
    %mul3A_148 = arith.muli %min3A_145, %mul3A_147 : vector<2048x128xi32>
    %add3A_149 = arith.addi %mul3A_148, %min3A_138 : vector<2048x128xi32>
    %mul3A_150 = arith.constant 262144 : i32
    %mul3A_151 = arith.muli %arg0, %mul3A_150 : i32
    %add3A_152 = vector.broadcast %mul3A_151 : i32 to vector<2048x128xi32>
    %add3A_153 = arith.addi %add3A_149, %add3A_152 : vector<2048x128xi32>
    %swap3A_154 = arith.constant 0 : index
    %swap3A_155 = arith.constant 0 : index
    %swap3A_156 = arith.constant 0 : index
    %swap3A_157 = vector.load %arg5[%swap3A_154, %swap3A_155, %swap3A_156] : memref<1x2048x128xi32, #tpu.memory_space<vmem>>, vector<1x2048x128xi32>
    %swap3A_158 = vector.shape_cast %swap3A_157 : vector<1x2048x128xi32> to vector<2048x128xi32>
    %swap3A_159 = vector.shape_cast %add3A_153 : vector<2048x128xi32> to vector<1x2048x128xi32>
    tpu.vector_store %arg5[%swap3A_154, %swap3A_155, %swap3A_156], %swap3A_159 {strides = array<i32>} : memref<1x2048x128xi32, #tpu.memory_space<vmem>>, vector<1x2048x128xi32>,
    return
  }
  func.func @transform_0(%arg0: i32) -> (i32, i32, i32) {
    %c0_i32 = arith.constant 0 : i32
    %c0_i32_0 = arith.constant 0 : i32
    %c0_i32_1 = arith.constant 0 : i32
    return %arg0, %c0_i32, %c0_i32_0 : i32, i32, i32
  }
  func.func @transform_1(%arg0: i32) -> (i32, i32, i32) {
    %c0_i32 = arith.constant 0 : i32
    %c0_i32_0 = arith.constant 0 : i32
    %c0_i32_1 = arith.constant 0 : i32
    return %arg0, %c0_i32, %c0_i32_0 : i32, i32, i32
  }
  func.func @transform_2(%arg0: i32) -> (i32, i32, i32) {
    %c0_i32 = arith.constant 0 : i32
    %c0_i32_0 = arith.constant 0 : i32
    %c0_i32_1 = arith.constant 0 : i32
    return %arg0, %c0_i32, %c0_i32_0 : i32, i32, i32
  }
  func.func @transform_3(%arg0: i32) -> (i32, i32, i32) {
    %c0_i32 = arith.constant 0 : i32
    %c0_i32_0 = arith.constant 0 : i32
    %c0_i32_1 = arith.constant 0 : i32
    return %arg0, %c0_i32, %c0_i32_0 : i32, i32, i32
  }
  func.func @transform_4(%arg0: i32) -> (i32, i32, i32) {
    %c0_i32 = arith.constant 0 : i32
    %c0_i32_0 = arith.constant 0 : i32
    %c0_i32_1 = arith.constant 0 : i32
    return %arg0, %c0_i32, %c0_i32_0 : i32, i32, i32
  }
}

</mosaic_0001>

<sc_bundles>
// kernel: kernel.6.cloned.1.call-start
scs
__scs_entry_jumppad:
0x0: {  	(pc) =	sbr.rel $0x88, $3  }
0x1: {  	(tag) =	ssettag $0x0;
	lr =	simm.s32 $0x1  }
0x2: {  	[smem:$0x3F9F] =	sst lr;
	_ =	strace $0xD0000000  }
0x3: {  	_ = 	snop  }
0x4: {  	_ = 	snop  }
0x5: {  	_ = 	snop  }
0x6: {  	_ = 	snop  }
0x7: {  	_ = 	snop  }
__scs_overlays_trampoline_lowered:
0x8: {  	[smem:$0x3FAE] =	sst s0  }
0x9: {  	[smem:$0x3FAF] =	sst s1  }
0xa: {  	[smem:$0x3FB0] =	sst s2  }
0xb: {  	[smem:$0x3FB1] =	sst s3  }
0xc: {  	[smem:$0x3FB2] =	sst s4  }
0xd: {  	[smem:$0x3FB3] =	sst s5  }
0xe: {  	[smem:$0x3FB4] =	sst s6  }
0xf: {  	[smem:$0x3FB5] =	sst s7  }
0x10: {  	[smem:$0x3FB6] =	sst s8  }
0x11: {  	[smem:$0x3FB7] =	sst s9;
	s0 =	simm.s32 @!p0 $0x0  }
0x12: {  	s1 =	sld [smem:$0x3F9D];
	s0 =	simm.s32 @p0 $0x1  }
0x13: {  	[smem:$0x3FB8] =	sst s0;
	s0 =	simm.s32 @!p1 $0x0  }
0x14: {  	s2 =	sld [smem:$0x3F9C];
	s0 =	simm.s32 @p1 $0x1  }
0x15: {  	[smem:$0x3FB9] =	sst s0;
	s0 =	simm.s32 @!p2 $0x0  }
0x16: {  	s3 =	sld [smem:$0x3FDB];
	s0 =	simm.s32 @p2 $0x1  }
0x17: {  	s4 =	simm.s32 $0x1BF5;
	[smem:$0x3FBB] =	sst s0  }
0x18: {  	s0 =	sld [smem:$0x3F9E];
	_ =	swait.ge [sflag:s4], $0x0  }
0x19: {  	s7 =	sld [smem:$0x3F9F]  }
0x1a: {  	s8 =	sadd.s32 $0xFFFFE003, lr  }
0x1b: {  	s9 =	sadd.s32 $0xFFFFFEF7, lr;
	s5 =	simm.s32 $0xFFFFFFFF;
	p2 =	slt.u32 s8, $0xFFFFF086  }
0x1c: {  	p1 =	slt.u32 s9, $0xF7A;
	s5 =	simm.s32 @!p2 $0x0  }
0x1d: {  	s5 =	simm.s32 @p1 $0x1;
	p0 =	seq.s32 s7, s2  }
0x1e: {  	s7 =	smul.u32 @!p0 $0xF7A, s2;
	p2 =	seq.s32 @!p0 s5, $0x0  }
0x1f: {  	s9 =	smul.u32 $0xF7A, s1;
	s8 =	simm.s32 @!p0 $0x1BF5;
	p2 =	por !p2, p0  }
0x20: {  	[sflag:s8] =	ssyncset.s32 @!p0 $0xFFFFF086;
	s6 =	sadd.s32 @!p0 s3, s7;
	s7 =	simm.s32 @!p0 $0x108  }
0x21: {  	s3 =	sadd.s32 s3, s9;
	s6 =	sadd.s32 @!p0 $0x88, s6;
	s7 =	simm.s32 @p2 $0x1082  }
0x22: {  	[simem:s7], [sflag:s8] =	dma.local @!p0 [hbm:s6], $0xF7A  }
0x23: {  	s9 =	sor.u32 $0xD0000000, s2;
	s6 =	simm.s32 $0x108;
	_ =	swait.ge @!p0 [sflag:s8], $0x0  }
0x24: {  	s3 =	sadd.s32 $0x88, s3;
	s6 =	simm.s32 @!p1 $0x1082;
	[sflag:s4] =	ssyncset.s32 $0xFFFFF086  }
0x25: {  	[simem:s6], [sflag:s4] =	dma.local [hbm:s3], $0xF7A  }
0x26: {  	[smem:$0x3F9F] =	sst s1;
	(tag) =	ssettag s2;
	_ =	strace s9  }
0x27: {  	s1 =	sld [smem:$0x3FAF]  }
0x28: {  	s2 =	sld [smem:$0x3FB0]  }
0x29: {  	s4 =	sld [smem:$0x3FB2]  }
0x2a: {  	p0 =	seq.s32 s5, $0x0;
	s5 =	sld [smem:$0x3FB3]  }
0x2b: {  	s6 =	sld [smem:$0x3FB4]  }
0x2c: {  	s7 =	sld [smem:$0x3FB5]  }
0x2d: {  	s3 =	simm.s32 $0x108;
	s8 =	sld [smem:$0x3FB6]  }
0x2e: {  	s3 =	simm.s32 @!p0 $0x1082;
	s9 =	sld [smem:$0x3FB7]  }
0x2f: {  	lr =	sadd.s32 s0, s3;
	s0 =	sld [smem:$0x3FAE]  }
0x30: {  	s3 =	sld [smem:$0x3FB1]  }
0x31: {  	[smem:$0x3FBA] =	sst s10  }
0x32: {  	s10 =	sld [smem:$0x3FB8];
	_ =	sdelay $0x3  }
0x33: {  	p0 =	seq.s32 s10, $0x1;
	s10 =	sld [smem:$0x3FBA];
	_ =	sdelay $0x3  }
0x34: {  	[smem:$0x3FBA] =	sst s10  }
0x35: {  	s10 =	sld [smem:$0x3FB9];
	_ =	sdelay $0x3  }
0x36: {  	p1 =	seq.s32 s10, $0x1;
	s10 =	sld [smem:$0x3FBA];
	_ =	sdelay $0x3  }
0x37: {  	[smem:$0x3FBA] =	sst s10  }
0x38: {  	s10 =	sld [smem:$0x3FBB]  }
0x39: {  	_ = 	snop;
	(pc) =	sbr.ind lr, $3  }
0x3a: {  	_ = 	snop  }
0x3b: {  	_ = 	snop  }
0x3c: {  	p2 =	seq.s32 s10, $0x1;
	s10 =	sld [smem:$0x3FBA]  }
0x3d: {  	_ =	shalt  }
0x3e: {  	_ =	shalt  }
0x3f: {  	_ =	shalt  }
0x40: {  	_ =	shalt  }
0x41: {  	_ =	shalt  }
0x42: {  	_ =	shalt  }
0x43: {  	_ =	shalt  }
0x44: {  	_ =	shalt  }
0x45: {  	_ =	shalt  }
0x46: {  	_ =	shalt  }
0x47: {  	_ =	shalt  }
0x48: {  	_ =	shalt  }
0x49: {  	_ =	shalt  }
0x4a: {  	_ =	shalt  }
0x4b: {  	_ =	shalt  }
0x4c: {  	_ =	shalt  }
0x4d: {  	_ =	shalt  }
0x4e: {  	_ =	shalt  }
0x4f: {  	_ =	shalt  }
0x50: {  	_ =	shalt  }
0x51: {  	_ =	shalt  }
0x52: {  	_ =	shalt  }
0x53: {  	_ =	shalt  }
0x54: {  	_ =	shalt  }
0x55: {  	_ =	shalt  }
0x56: {  	_ =	shalt  }
0x57: {  	_ =	shalt  }
0x58: {  	_ =	shalt  }
0x59: {  	_ =	shalt  }
0x5a: {  	_ =	shalt  }
0x5b: {  	_ =	shalt  }
0x5c: {  	_ =	shalt  }
0x5d: {  	_ =	shalt  }
0x5e: {  	_ =	shalt  }
0x5f: {  	_ =	shalt  }
0x60: {  	_ =	shalt  }
0x61: {  	_ =	shalt  }
0x62: {  	_ =	shalt  }
0x63: {  	_ =	shalt  }
0x64: {  	_ =	shalt  }
0x65: {  	_ =	shalt  }
0x66: {  	_ =	shalt  }
0x67: {  	_ =	shalt  }
0x68: {  	_ =	shalt  }
0x69: {  	_ =	shalt  }
0x6a: {  	_ =	shalt  }
0x6b: {  	_ =	shalt  }
0x6c: {  	_ =	shalt  }
0x6d: {  	_ =	shalt  }
0x6e: {  	_ =	shalt  }
0x6f: {  	_ =	shalt  }
0x70: {  	_ =	shalt  }
0x71: {  	_ =	shalt  }
0x72: {  	_ =	shalt  }
0x73: {  	_ =	shalt  }
0x74: {  	_ =	shalt  }
0x75: {  	_ =	shalt  }
0x76: {  	_ =	shalt  }
0x77: {  	_ =	shalt  }
0x78: {  	_ =	shalt  }
0x79: {  	_ =	shalt  }
0x7a: {  	_ =	shalt  }
0x7b: {  	_ =	shalt  }
0x7c: {  	_ =	shalt  }
0x7d: {  	_ =	shalt  }
0x7e: {  	_ =	shalt  }
0x7f: {  	_ =	shalt  }
0x80: {  	_ =	shalt  }
0x81: {  	_ =	shalt  }
0x82: {  	_ =	shalt  }
0x83: {  	_ =	shalt  }
0x84: {  	_ =	shalt  }
0x85: {  	_ =	shalt  }
0x86: {  	_ =	shalt  }
0x87: {  	_ =	shalt  }
.Lfunc_end0:
.L_simem_size_0:
called_computation_lowered:
.L_overlay_start_0:
0x88: {  	s2 =	sld [smem:$0x3FD9]  }
0x89: {  	s3 =	sld [smem:$0x3FFE];
	_ =	sdelay $0x1  }
0x8a: {  	s1 =	srdreg.scid  }
0x8b: {  	s0 =	sand.u32 $0x1, s1  }
0x8c: {  	s16 =	sshll.u32 s0, $0xA;
	s2 =	sadd.s32 s3, s2  }
0x8d: {  	s2 =	sadd.s32 s2, s16  }
0x8e: {  	[smem:$0x3FC6] =	sst s2  }
0x8f: {  	_ = 	snop  }
0x90: {  	(tm) =	ssettm $0x1  }
0x91: {  	s17 =	sld [smem:$0x3FFB];
	_ =	sdelay $0x3  }
0x92: {  	_ =	strace s17  }
0x93: {  	s2 =	sld [smem:$0x3FFC];
	_ =	sdelay $0x3  }
0x94: {  	_ =	strace s2  }
0x95: {  	s2 =	sld [smem:$0x3FFD];
	_ =	sdelay $0x3  }
0x96: {  	_ =	strace s2  }
0x97: {  	_ =	strace $0x8FFFFFFF  }
0x98: {  	s18 =	sld [smem:$0x3FDB];
	_ =	sdelay $0x1  }
0x99: {  	s19 =	simm.s32 $_scs_section_size  }
0x9a: {  	s4 =	simm.s32 $_size__tile_overlayer_lowered;
	s5 =	simm.s32 $_tile_overlayer_lowered  }
0x9b: {  	s22 =	simm.s32 $0x1BFF;
	s21 =	sshll.u32 s5, $0x1;
	s2 =	sadd.s32 s19, s18  }
0x9c: {  	s6 =	simm.s32 $0x0;
	s20 =	sshll.u32 s4, $0x1;
	s4 =	sadd.s32 s21, s2  }
0x9d: {  	[timem:s6], [sflag:s22] =	dma.local [hbm:s4], s20  }
0x9e: {  	_ =	swait.ge [sflag:s22], s20  }
0x9f: {  	s3 =	ssub.s32 $0x0, s20;
	[sflag:s22] =	ssyncset.done $0x0  }
0xa0: {  	[sflag:s22] =	ssyncadd.s32 s3;
	_ =	sdelay $0x1  }
0xa1: {  	s23 =	simm.s32 $0x1B8B  }
0xa2: {  	_ =	swait.ge [sflag:s23], $0x1  }
0xa3: {  	[sflag:s23] =	ssyncset.done $0x0  }
0xa4: {  	s25 =	simm.s32 $0x1B8E;
	s24 =	sld [smem:$0x3FFE];
	[sflag:s23] =	ssyncadd.s32 $0xFFFFFFFF  }
0xa5: {  	s26 =	simm.s32 $execute0_lowered;
	[smem:$0x3FD2] =	sst s25  }
0xa6: {  	s4 =	sshll.u32 s26, $0x1;
	_ =	strace $0x80000046;
	[dreg:$0x1] =	wrdreg $0xFFFFFFFF  }
0xa7: {  	s28 =	simm.s32 $_size_execute0_lowered;
	s2 =	sadd.s32 s2, s4;
	[dreg:$0x0] =	wrdreg $0x0  }
0xa8: {  	s4 =	sshll.u32 s28, $0x1;
	[dreg:$0x2] =	wrdreg s2  }
0xa9: {  	[dreg:$0x3] =	wrdreg s4  }
0xaa: {  	[dreg:$0x4] =	wrdreg $0xC0  }
0xab: {  	_ =	task [dreg:s6], $0x5FFFF  }
0xac: {  	[dreg:$0x1] =	wrdreg $0xFFFFFFFF  }
0xad: {  	[dreg:$0x0] =	wrdreg $0x60  }
0xae: {  	[dreg:$0x2] =	wrdreg s24  }
0xaf: {  	[dreg:$0x3] =	wrdreg $0x9  }
0xb0: {  	_ =	task.clear_ibuf [dreg:s6], $0x4FFFF;
	_ =	strace $0x90000046  }
0xb1: {  	s29 =	simm.s32 $0x9;
	_ =	strace $0x80000048  }
0xb2: {  	_ =	swait.ge [sflag:s29], $0x1  }
0xb3: {  	[sflag:s29] =	ssyncadd.s32 $0xFFFFFFFF  }
0xb4: {  	_ =	strace $0x90000048  }
0xb5: {  	_ =	sfence  }
0xb6: {  	s30 =	sld [smem:$0x0];
	_ =	sdelay $0x2  }
0xb7: {  	s31 =	sshll.u32 s1, $0xD;
	s1 =	sshrl.u32 s1, $0x2  }
0xb8: {  	s3 =	sand.u32 $0x4000, s31;
	s1 =	sadd.s32 s1, s30  }
0xb9: {  	s0 =	sor.u32 s3, s0;
	s1 =	sshll.u32 s1, $0x11  }
0xba: {  	s0 =	sor.u32 s1, s0  }
0xbb: {  	s0 =	sadd.s32 $0x8F2B, s0  }
0xbc: {  	[sflag:s0] =	ssyncadd.remote.s32 $0x1  }
0xbd: {  	_ =	sfence.sel $0xFFFF  }
0xbe: {  	[dreg:$0x0] =	wrdreg $0xFFFFFFFF;
	(pc) =	sbr.abs _section_cstart, $3  }
0xbf: {  	[dreg:$0x1] =	wrdreg $0xFFFFFFFF  }
0xc0: {  	_ =	task.clear_ibuf [dreg:s6], $0x2FFFF;
	_ =	strace $0x9FFFFFFF  }
0xc1: {  	(tm) =	ssettm $0x7FFFFFFF  }
tec
execute0_lowered:
.L_overlay_start_1:
0x0: {  	(tag) =	ssettag $0x1  }
0x1: {  	s10 =	rddreg [dreg:$0x0];
	s2 =	srdreg.scid  }
0x2: {  	s0 =	rddreg [dreg:$0x1];
	s1 =	stileid.u32;
	s19 =	sand.u32 $0x1, s2  }
0x3: {  	s2 =	simm.s32 $0x0;
	s3 =	sshll.u32 s1, $0xE;
	s4 =	sshll.u32 s19, $0xD  }
0x4: {  	s13 =	sadd.s32 $0x43C00, s10;
	[smem:$0x7FF] =	sst s2;
	s12 =	sor.u32 s4, s3  }
0x5: {  	_ =	strace $0x80000047;
	s4 =	simm.s32 $0x1;
	s3 =	sadd.s32 s13, s12  }
0x6: {  	[tilespmem:s2], [sflag:$0x1] =	stream.linear.gather [hbm4b:s3+s2], $0x4000, $0x38;
	[tilespmem:$0x10000] =	vst v63  }
0x7: {  	_ =	swait.ge [sflag:s4], $0x4000  }
0x8: {  	s6 =	simm.s32 $0x4000;
	s7 =	simm.s32 $0x8000;
	[sflag:s4] =	ssyncset.done $0x0  }
0x9: {  	s5 =	sadd.s32 $0x3C00, s10;
	s16 =	sadd.s32 $0x44400, s10;
	[sflag:s4] =	ssyncadd.s32 $0xFFFFC000  }
0xa: {  	[tilespmem:s7], [sflag:$0x3] =	stream.indirect.gather [hbm4b:s5+s6], $0x1, s2, s6, $0xb8;
	[tilespmem:$0x10000] =	vst v63  }
0xb: {  	s9 =	simm.s32 $0x3;
	s8 =	sadd.s32 s12, s16  }
0xc: {  	[tilespmem:s6], [sflag:$0x2] =	stream.linear.gather [hbm4b:s8+s2], $0x4000, $0x38;
	[tilespmem:$0x10000] =	vst v63  }
0xd: {  	_ =	swait.ge [sflag:s9], $0x4000  }
0xe: {  	s17 =	sadd.s32 $0x83C00, s10;
	[sflag:s9] =	ssyncset.done $0x0  }
0xf: {  	s11 =	simm.s32 $0x2;
	s10 =	sadd.s32 s17, s12;
	[sflag:s9] =	ssyncadd.s32 $0xFFFFC000  }
0x10: {  	[hbm4b:s10+s2] =	stream.linear.scatter [tilespmem:s7], [sflag:$0x4], $0x4000, $0x38;
	[tilespmem:$0x10000] =	vst v63  }
0x11: {  	_ =	swait.ge [sflag:s11], $0x4000  }
0x12: {  	[sflag:s11] =	ssyncset.done $0x0  }
0x13: {  	s18 =	sor.u32 $0x1000, s12;
	s12 =	simm.s32 $0xC000;
	[sflag:s11] =	ssyncadd.s32 $0xFFFFC000  }
0x14: {  	[tilespmem:s12], [sflag:$0x3] =	stream.indirect.gather [hbm4b:s5+s6], $0x1, s6, s6, $0xb8;
	[tilespmem:$0x10000] =	vst v63  }
0x15: {  	s13 =	sadd.s32 s13, s18  }
0x16: {  	[tilespmem:s2], [sflag:$0x1] =	stream.linear.gather [hbm4b:s13+s2], $0x4000, $0x38;
	[tilespmem:$0x10000] =	vst v63  }
0x17: {  	_ =	swait.ge [sflag:s9], $0x4000  }
0x18: {  	[sflag:s9] =	ssyncset.done $0x0  }
0x19: {  	s15 =	simm.s32 $0x4;
	s14 =	sadd.s32 $0x800, s10;
	[sflag:s9] =	ssyncadd.s32 $0xFFFFC000  }
0x1a: {  	[hbm4b:s14+s2] =	stream.linear.scatter [tilespmem:s12], [sflag:$0x5], $0x4000, $0x38;
	[tilespmem:$0x10000] =	vst v63  }
0x1b: {  	_ =	swait.ge [sflag:s15], $0x4000  }
0x1c: {  	[sflag:s15] =	ssyncset.done $0x0  }
0x1d: {  	[sflag:s15] =	ssyncadd.s32 $0xFFFFC000  }
0x1e: {  	_ =	swait.ge [sflag:s4], $0x4000  }
0x1f: {  	[sflag:s4] =	ssyncset.done $0x0  }
0x20: {  	[sflag:s4] =	ssyncadd.s32 $0xFFFFC000  }
0x21: {  	[tilespmem:s7], [sflag:$0x3] =	stream.indirect.gather [hbm4b:s5+s6], $0x1, s2, s6, $0xb8;
	[tilespmem:$0x10000] =	vst v63  }
0x22: {  	s16 =	sadd.s32 s18, s16  }
0x23: {  	[tilespmem:s6], [sflag:$0x2] =	stream.linear.gather [hbm4b:s16+s2], $0x4000, $0x38;
	[tilespmem:$0x10000] =	vst v63  }
0x24: {  	_ =	swait.ge [sflag:s9], $0x4000  }
0x25: {  	[sflag:s9] =	ssyncset.done $0x0  }
0x26: {  	s18 =	sadd.s32 s17, s18;
	s17 =	simm.s32 $0x5;
	[sflag:s9] =	ssyncadd.s32 $0xFFFFC000  }
0x27: {  	[hbm4b:s18+s2] =	stream.linear.scatter [tilespmem:s7], [sflag:$0x4], $0x4000, $0x38;
	[tilespmem:$0x10000] =	vst v63  }
0x28: {  	_ =	swait.ge [sflag:s17], $0x4000  }
0x29: {  	[sflag:s17] =	ssyncset.done $0x0  }
0x2a: {  	[sflag:s17] =	ssyncadd.s32 $0xFFFFC000  }
0x2b: {  	_ =	swait.ge [sflag:s11], $0x4000  }
0x2c: {  	s20 =	ssub.s32 $0x2, s19;
	[sflag:s11] =	ssyncset.done $0x0  }
0x2d: {  	s21 =	sshrl.u32 s20, $0x1;
	[sflag:s11] =	ssyncadd.s32 $0xFFFFC000  }
0x2e: {  	[tilespmem:s12], [sflag:$0x3] =	stream.indirect.gather [hbm4b:s5+s6], $0x1, s6, s6, $0xb8;
	[tilespmem:$0x10000] =	vst v63  }
0x2f: {  	s20 =	ssub.s32 s20, s21;
	_ =	swait.ge [sflag:s9], $0x4000  }
0x30: {  	s20 =	smax.u32 s20, $0x1;
	[sflag:s9] =	ssyncset.done $0x0  }
0x31: {  	s19 =	sadd.s32 $0x1800, s10;
	p0 =	sne.s32 s20, $0x1;
	[sflag:s9] =	ssyncadd.s32 $0xFFFFC000  }
0x32: {  	[hbm4b:s19+s2] =	stream.linear.scatter [tilespmem:s12], [sflag:$0x5], $0x4000, $0x38;
	[tilespmem:$0x10000] =	vst v63  }
.Ltmp0:
0x33: {  	_ =	swait.ge [sflag:s15], $0x4000;
	(pc) =	sbr.rel @!p0 .LBB2_2-.Ltmp0, $4  }
0x34: {  	[sflag:s15] =	ssyncset.done $0x0  }
0x35: {  	[sflag:s15] =	ssyncadd.s32 $0xFFFFC000  }
0x36: {  	_ =	swait.ge [sflag:s17], $0x4000  }
0x37: {  	s20 =	sadd.s32 $0xFFFFFFFF, s20;
	[sflag:s17] =	ssyncset.done $0x0  }
.LBB2_1:
0x38: {  	p0 =	sne.s32 s20, $0x1;
	s20 =	sadd.s32 $0xFFFFFFFF, s20;
	[sflag:s17] =	ssyncadd.s32 $0xFFFFC000  }
0x39: {  	[tilespmem:s2], [sflag:$0x1] =	stream.linear.gather [hbm4b:s3+s2], $0x4000, $0x38;
	[tilespmem:$0x10000] =	vst v63  }
0x3a: {  	_ =	swait.ge [sflag:s4], $0x4000  }
0x3b: {  	[sflag:s4] =	ssyncset.done $0x0  }
0x3c: {  	[sflag:s4] =	ssyncadd.s32 $0xFFFFC000  }
0x3d: {  	[tilespmem:s7], [sflag:$0x3] =	stream.indirect.gather [hbm4b:s5+s6], $0x1, s2, s6, $0xb8;
	[tilespmem:$0x10000] =	vst v63  }
0x3e: {  	_ = 	snop  }
0x3f: {  	[tilespmem:s6], [sflag:$0x2] =	stream.linear.gather [hbm4b:s8+s2], $0x4000, $0x38;
	[tilespmem:$0x10000] =	vst v63  }
0x40: {  	_ =	swait.ge [sflag:s9], $0x4000  }
0x41: {  	[sflag:s9] =	ssyncset.done $0x0  }
0x42: {  	[sflag:s9] =	ssyncadd.s32 $0xFFFFC000  }
0x43: {  	[hbm4b:s10+s2] =	stream.linear.scatter [tilespmem:s7], [sflag:$0x4], $0x4000, $0x38;
	[tilespmem:$0x10000] =	vst v63  }
0x44: {  	_ =	swait.ge [sflag:s11], $0x4000  }
0x45: {  	[sflag:s11] =	ssyncset.done $0x0  }
0x46: {  	[sflag:s11] =	ssyncadd.s32 $0xFFFFC000  }
0x47: {  	[tilespmem:s12], [sflag:$0x3] =	stream.indirect.gather [hbm4b:s5+s6], $0x1, s6, s6, $0xb8;
	[tilespmem:$0x10000] =	vst v63  }
0x48: {  	_ = 	snop  }
0x49: {  	[tilespmem:s2], [sflag:$0x1] =	stream.linear.gather [hbm4b:s13+s2], $0x4000, $0x38;
	[tilespmem:$0x10000] =	vst v63  }
0x4a: {  	_ =	swait.ge [sflag:s9], $0x4000  }
0x4b: {  	[sflag:s9] =	ssyncset.done $0x0  }
0x4c: {  	[sflag:s9] =	ssyncadd.s32 $0xFFFFC000  }
0x4d: {  	[hbm4b:s14+s2] =	stream.linear.scatter [tilespmem:s12], [sflag:$0x5], $0x4000, $0x38;
	[tilespmem:$0x10000] =	vst v63  }
0x4e: {  	_ =	swait.ge [sflag:s15], $0x4000  }
0x4f: {  	[sflag:s15] =	ssyncset.done $0x0  }
0x50: {  	[sflag:s15] =	ssyncadd.s32 $0xFFFFC000  }
0x51: {  	_ =	swait.ge [sflag:s4], $0x4000  }
0x52: {  	[sflag:s4] =	ssyncset.done $0x0  }
0x53: {  	[sflag:s4] =	ssyncadd.s32 $0xFFFFC000  }
0x54: {  	[tilespmem:s7], [sflag:$0x3] =	stream.indirect.gather [hbm4b:s5+s6], $0x1, s2, s6, $0xb8;
	[tilespmem:$0x10000] =	vst v63  }
0x55: {  	_ = 	snop  }
0x56: {  	[tilespmem:s6], [sflag:$0x2] =	stream.linear.gather [hbm4b:s16+s2], $0x4000, $0x38;
	[tilespmem:$0x10000] =	vst v63  }
0x57: {  	_ =	swait.ge [sflag:s9], $0x4000  }
0x58: {  	[sflag:s9] =	ssyncset.done $0x0  }
0x59: {  	[sflag:s9] =	ssyncadd.s32 $0xFFFFC000  }
0x5a: {  	[hbm4b:s18+s2] =	stream.linear.scatter [tilespmem:s7], [sflag:$0x4], $0x4000, $0x38;
	[tilespmem:$0x10000] =	vst v63  }
0x5b: {  	_ =	swait.ge [sflag:s17], $0x4000  }
0x5c: {  	[sflag:s17] =	ssyncset.done $0x0  }
0x5d: {  	[sflag:s17] =	ssyncadd.s32 $0xFFFFC000  }
0x5e: {  	_ =	swait.ge [sflag:s11], $0x4000  }
0x5f: {  	[sflag:s11] =	ssyncset.done $0x0  }
0x60: {  	[sflag:s11] =	ssyncadd.s32 $0xFFFFC000  }
0x61: {  	[tilespmem:s12], [sflag:$0x3] =	stream.indirect.gather [hbm4b:s5+s6], $0x1, s6, s6, $0xb8;
	[tilespmem:$0x10000] =	vst v63  }
0x62: {  	_ =	swait.ge [sflag:s9], $0x4000  }
0x63: {  	[sflag:s9] =	ssyncset.done $0x0  }
0x64: {  	[sflag:s9] =	ssyncadd.s32 $0xFFFFC000  }
0x65: {  	[hbm4b:s19+s2] =	stream.linear.scatter [tilespmem:s12], [sflag:$0x5], $0x4000, $0x38;
	[tilespmem:$0x10000] =	vst v63  }
.Ltmp1:
0x66: {  	_ =	swait.ge [sflag:s15], $0x4000;
	(pc) =	sbr.rel @p0 .LBB2_1-.Ltmp1, $4  }
0x67: {  	[sflag:s15] =	ssyncset.done $0x0  }
0x68: {  	[sflag:s15] =	ssyncadd.s32 $0xFFFFC000  }
0x69: {  	_ =	swait.ge [sflag:s17], $0x4000  }
0x6a: {  	[sflag:s17] =	ssyncset.done $0x0  }
.LBB2_2:
0x6b: {  	[sflag:s17] =	ssyncadd.s32 $0xFFFFC000  }
0x6c: {  	_ =	sfence.sel $0x180000  }
0x6d: {  	[bflag:$0x0] =	sbarrier.arrive $0xFFFF  }
0x6e: {  	p0 =	sne.s32 s1, $0x0;
	_ =	strace $0x90000047  }
0x6f: {  	s0 =	sadd.s32 @!p0 $0x100000, s0;
	[bflag:$0x2] =	sbarrier.arrive $0xFFFF  }
0x70: {  	[sflag:s0] =	ssyncadd.tile.s32 @!p0 $0x1;
	_ =	shalt  }
.Lfunc_end2:
_tile_overlayer_lowered:
.L_overlay_start_2:
0x71: {  	(tag) =	ssettag $0x2  }
0x72: {  	s0 =	rddreg [dreg:$0x0];
	s2 =	stileid.u32  }
0x73: {  	s1 =	rddreg [dreg:$0x1];
	p0 =	sne.s32 s2, $0x0  }
0x74: {  	s3 =	rddreg [dreg:$0x2];
	[bflag:$0x3] =	sbarrier.arrive $0xFFFF;
	s2 =	simm.s32 @!p0 $0x1C06  }
0x75: {  	[timem:s3], [sflag:s2] =	dma.local @!p0 [hbm:s0], s1  }
0x76: {  	s0 =	simm.s32 @!p0 $0x6  }
0x77: {  	_ =	swait.ge @!p0 [sflag:s0], s1  }
0x78: {  	s1 =	ssub.s32 @!p0 $0x0, s1;
	[sflag:s0] =	ssyncset.done @!p0 $0x0  }
0x79: {  	[sflag:s0] =	ssyncadd.s32 @!p0 s1  }
0x7a: {  	[bflag:$0x3] =	sbarrier.arrive $0xFFFF  }
0x7b: {  	_ =	shalt  }

// kernel: kernel.9.cloned.1.call-start
scs
__scs_entry_jumppad:
0x0: {  	(pc) =	sbr.rel $0x88, $3  }
0x1: {  	(tag) =	ssettag $0x0;
	lr =	simm.s32 $0x1  }
0x2: {  	[smem:$0x3F9F] =	sst lr;
	_ =	strace $0xD0000000  }
0x3: {  	_ = 	snop  }
0x4: {  	_ = 	snop  }
0x5: {  	_ = 	snop  }
0x6: {  	_ = 	snop  }
0x7: {  	_ = 	snop  }
__scs_overlays_trampoline_lowered:
0x8: {  	[smem:$0x3FAE] =	sst s0  }
0x9: {  	[smem:$0x3FAF] =	sst s1  }
0xa: {  	[smem:$0x3FB0] =	sst s2  }
0xb: {  	[smem:$0x3FB1] =	sst s3  }
0xc: {  	[smem:$0x3FB2] =	sst s4  }
0xd: {  	[smem:$0x3FB3] =	sst s5  }
0xe: {  	[smem:$0x3FB4] =	sst s6  }
0xf: {  	[smem:$0x3FB5] =	sst s7  }
0x10: {  	[smem:$0x3FB6] =	sst s8  }
0x11: {  	[smem:$0x3FB7] =	sst s9;
	s0 =	simm.s32 @!p0 $0x0  }
0x12: {  	s1 =	sld [smem:$0x3F9D];
	s0 =	simm.s32 @p0 $0x1  }
0x13: {  	[smem:$0x3FB8] =	sst s0;
	s0 =	simm.s32 @!p1 $0x0  }
0x14: {  	s2 =	sld [smem:$0x3F9C];
	s0 =	simm.s32 @p1 $0x1  }
0x15: {  	[smem:$0x3FB9] =	sst s0;
	s0 =	simm.s32 @!p2 $0x0  }
0x16: {  	s3 =	sld [smem:$0x3FDB];
	s0 =	simm.s32 @p2 $0x1  }
0x17: {  	s4 =	simm.s32 $0x1BF5;
	[smem:$0x3FBB] =	sst s0  }
0x18: {  	s0 =	sld [smem:$0x3F9E];
	_ =	swait.ge [sflag:s4], $0x0  }
0x19: {  	s7 =	sld [smem:$0x3F9F]  }
0x1a: {  	s8 =	sadd.s32 $0xFFFFE003, lr  }
0x1b: {  	s9 =	sadd.s32 $0xFFFFFEF7, lr;
	s5 =	simm.s32 $0xFFFFFFFF;
	p2 =	slt.u32 s8, $0xFFFFF086  }
0x1c: {  	p1 =	slt.u32 s9, $0xF7A;
	s5 =	simm.s32 @!p2 $0x0  }
0x1d: {  	s5 =	simm.s32 @p1 $0x1;
	p0 =	seq.s32 s7, s2  }
0x1e: {  	s7 =	smul.u32 @!p0 $0xF7A, s2;
	p2 =	seq.s32 @!p0 s5, $0x0  }
0x1f: {  	s9 =	smul.u32 $0xF7A, s1;
	s8 =	simm.s32 @!p0 $0x1BF5;
	p2 =	por !p2, p0  }
0x20: {  	[sflag:s8] =	ssyncset.s32 @!p0 $0xFFFFF086;
	s6 =	sadd.s32 @!p0 s3, s7;
	s7 =	simm.s32 @!p0 $0x108  }
0x21: {  	s3 =	sadd.s32 s3, s9;
	s6 =	sadd.s32 @!p0 $0x88, s6;
	s7 =	simm.s32 @p2 $0x1082  }
0x22: {  	[simem:s7], [sflag:s8] =	dma.local @!p0 [hbm:s6], $0xF7A  }
0x23: {  	s9 =	sor.u32 $0xD0000000, s2;
	s6 =	simm.s32 $0x108;
	_ =	swait.ge @!p0 [sflag:s8], $0x0  }
0x24: {  	s3 =	sadd.s32 $0x88, s3;
	s6 =	simm.s32 @!p1 $0x1082;
	[sflag:s4] =	ssyncset.s32 $0xFFFFF086  }
0x25: {  	[simem:s6], [sflag:s4] =	dma.local [hbm:s3], $0xF7A  }
0x26: {  	[smem:$0x3F9F] =	sst s1;
	(tag) =	ssettag s2;
	_ =	strace s9  }
0x27: {  	s1 =	sld [smem:$0x3FAF]  }
0x28: {  	s2 =	sld [smem:$0x3FB0]  }
0x29: {  	s4 =	sld [smem:$0x3FB2]  }
0x2a: {  	p0 =	seq.s32 s5, $0x0;
	s5 =	sld [smem:$0x3FB3]  }
0x2b: {  	s6 =	sld [smem:$0x3FB4]  }
0x2c: {  	s7 =	sld [smem:$0x3FB5]  }
0x2d: {  	s3 =	simm.s32 $0x108;
	s8 =	sld [smem:$0x3FB6]  }
0x2e: {  	s3 =	simm.s32 @!p0 $0x1082;
	s9 =	sld [smem:$0x3FB7]  }
0x2f: {  	lr =	sadd.s32 s0, s3;
	s0 =	sld [smem:$0x3FAE]  }
0x30: {  	s3 =	sld [smem:$0x3FB1]  }
0x31: {  	[smem:$0x3FBA] =	sst s10  }
0x32: {  	s10 =	sld [smem:$0x3FB8];
	_ =	sdelay $0x3  }
0x33: {  	p0 =	seq.s32 s10, $0x1;
	s10 =	sld [smem:$0x3FBA];
	_ =	sdelay $0x3  }
0x34: {  	[smem:$0x3FBA] =	sst s10  }
0x35: {  	s10 =	sld [smem:$0x3FB9];
	_ =	sdelay $0x3  }
0x36: {  	p1 =	seq.s32 s10, $0x1;
	s10 =	sld [smem:$0x3FBA];
	_ =	sdelay $0x3  }
0x37: {  	[smem:$0x3FBA] =	sst s10  }
0x38: {  	s10 =	sld [smem:$0x3FBB]  }
0x39: {  	_ = 	snop;
	(pc) =	sbr.ind lr, $3  }
0x3a: {  	_ = 	snop  }
0x3b: {  	_ = 	snop  }
0x3c: {  	p2 =	seq.s32 s10, $0x1;
	s10 =	sld [smem:$0x3FBA]  }
0x3d: {  	_ =	shalt  }
0x3e: {  	_ =	shalt  }
0x3f: {  	_ =	shalt  }
0x40: {  	_ =	shalt  }
0x41: {  	_ =	shalt  }
0x42: {  	_ =	shalt  }
0x43: {  	_ =	shalt  }
0x44: {  	_ =	shalt  }
0x45: {  	_ =	shalt  }
0x46: {  	_ =	shalt  }
0x47: {  	_ =	shalt  }
0x48: {  	_ =	shalt  }
0x49: {  	_ =	shalt  }
0x4a: {  	_ =	shalt  }
0x4b: {  	_ =	shalt  }
0x4c: {  	_ =	shalt  }
0x4d: {  	_ =	shalt  }
0x4e: {  	_ =	shalt  }
0x4f: {  	_ =	shalt  }
0x50: {  	_ =	shalt  }
0x51: {  	_ =	shalt  }
0x52: {  	_ =	shalt  }
0x53: {  	_ =	shalt  }
0x54: {  	_ =	shalt  }
0x55: {  	_ =	shalt  }
0x56: {  	_ =	shalt  }
0x57: {  	_ =	shalt  }
0x58: {  	_ =	shalt  }
0x59: {  	_ =	shalt  }
0x5a: {  	_ =	shalt  }
0x5b: {  	_ =	shalt  }
0x5c: {  	_ =	shalt  }
0x5d: {  	_ =	shalt  }
0x5e: {  	_ =	shalt  }
0x5f: {  	_ =	shalt  }
0x60: {  	_ =	shalt  }
0x61: {  	_ =	shalt  }
0x62: {  	_ =	shalt  }
0x63: {  	_ =	shalt  }
0x64: {  	_ =	shalt  }
0x65: {  	_ =	shalt  }
0x66: {  	_ =	shalt  }
0x67: {  	_ =	shalt  }
0x68: {  	_ =	shalt  }
0x69: {  	_ =	shalt  }
0x6a: {  	_ =	shalt  }
0x6b: {  	_ =	shalt  }
0x6c: {  	_ =	shalt  }
0x6d: {  	_ =	shalt  }
0x6e: {  	_ =	shalt  }
0x6f: {  	_ =	shalt  }
0x70: {  	_ =	shalt  }
0x71: {  	_ =	shalt  }
0x72: {  	_ =	shalt  }
0x73: {  	_ =	shalt  }
0x74: {  	_ =	shalt  }
0x75: {  	_ =	shalt  }
0x76: {  	_ =	shalt  }
0x77: {  	_ =	shalt  }
0x78: {  	_ =	shalt  }
0x79: {  	_ =	shalt  }
0x7a: {  	_ =	shalt  }
0x7b: {  	_ =	shalt  }
0x7c: {  	_ =	shalt  }
0x7d: {  	_ =	shalt  }
0x7e: {  	_ =	shalt  }
0x7f: {  	_ =	shalt  }
0x80: {  	_ =	shalt  }
0x81: {  	_ =	shalt  }
0x82: {  	_ =	shalt  }
0x83: {  	_ =	shalt  }
0x84: {  	_ =	shalt  }
0x85: {  	_ =	shalt  }
0x86: {  	_ =	shalt  }
0x87: {  	_ =	shalt  }
.Lfunc_end0:
.L_simem_size_0:
called_computation.1_lowered:
.L_overlay_start_0:
0x88: {  	s2 =	sld [smem:$0x3FD9]  }
0x89: {  	s3 =	sld [smem:$0x3FFE];
	_ =	sdelay $0x1  }
0x8a: {  	s1 =	srdreg.scid  }
0x8b: {  	s0 =	sand.u32 $0x1, s1  }
0x8c: {  	s17 =	sshll.u32 s0, $0xA;
	s2 =	sadd.s32 s3, s2  }
0x8d: {  	s2 =	sadd.s32 s2, s17  }
0x8e: {  	[smem:$0x3FC6] =	sst s2  }
0x8f: {  	_ = 	snop  }
0x90: {  	s18 =	sld [smem:$0x3FD0];
	(tm) =	ssettm $0x1  }
0x91: {  	s19 =	sld [smem:$0x3FFB];
	_ =	sdelay $0x3  }
0x92: {  	_ =	strace s19  }
0x93: {  	s2 =	sld [smem:$0x3FFC];
	_ =	sdelay $0x3  }
0x94: {  	_ =	strace s2  }
0x95: {  	s2 =	sld [smem:$0x3FFD];
	_ =	sdelay $0x3  }
0x96: {  	_ =	strace s2  }
0x97: {  	_ =	strace $0x8FFFFFFF  }
0x98: {  	s20 =	sld [smem:$0x3FDB];
	_ =	sdelay $0x1  }
0x99: {  	s4 =	simm.s32 $_scs_section_size  }
0x9a: {  	s5 =	simm.s32 $_size__tile_overlayer_lowered;
	s6 =	simm.s32 $_tile_overlayer_lowered  }
0x9b: {  	s7 =	simm.s32 $0x1BFF;
	s21 =	sshll.u32 s6, $0x1;
	s4 =	sadd.s32 s4, s20  }
0x9c: {  	s22 =	simm.s32 $0x0;
	s5 =	sshll.u32 s5, $0x1;
	s6 =	sadd.s32 s21, s4  }
0x9d: {  	[timem:s22], [sflag:s7] =	dma.local [hbm:s6], s5  }
0x9e: {  	_ =	swait.ge [sflag:s7], s5  }
0x9f: {  	s5 =	ssub.s32 $0x0, s5;
	[sflag:s7] =	ssyncset.done $0x0  }
0xa0: {  	[sflag:s7] =	ssyncadd.s32 s5;
	_ =	sdelay $0x1  }
0xa1: {  	s23 =	simm.s32 $0x1B8B  }
0xa2: {  	_ =	swait.ge [sflag:s23], $0x1  }
0xa3: {  	[sflag:s23] =	ssyncset.done $0x0  }
0xa4: {  	[sflag:s23] =	ssyncadd.s32 $0xFFFFFFFF  }
0xa5: {  	s5 =	sld [smem:$0x0]  }
0xa6: {  	s6 =	sand.u32 $0xFFFFFFFE, s1  }
0xa7: {  	p0 =	sne.s32 s1, s6  }
0xa8: {  	s6 =	sshll.u32 @p0 s6, $0xE  }
0xa9: {  	s6 =	sadd.s32 @p0 $0x11B8D, s6;
	s7 =	sshll.u32 @p0 s5, $0x11  }
0xaa: {  	s6 =	sor.u32 @p0 s7, s6  }
0xab: {  	[sflag:s6] =	ssyncadd.remote.s32 @p0 $0x1;
	_ =	sdelay $0x1  }
0xac: {  	s6 =	simm.s32 @p0 $0x1B8D  }
0xad: {  	_ =	swait.eq @p0 [sflag:s6], $0x1  }
0xae: {  	[sflag:s6] =	ssyncadd.s32 @p0 $0xFFFFFFFF  }
0xaf: {  	s7 =	sshll.u32 @!p0 s1, $0xE  }
0xb0: {  	s7 =	sor.u32 @!p0 $0x4000, s7;
	s6 =	simm.s32 @!p0 $0x1B8D  }
0xb1: {  	s5 =	sshll.u32 @!p0 s5, $0x11;
	s7 =	sadd.s32 @!p0 $0x11B8D, s7;
	_ =	swait.eq @!p0 [sflag:s6], $0x1  }
0xb2: {  	s5 =	sor.u32 @!p0 s5, s7;
	[sflag:s6] =	ssyncadd.s32 @!p0 $0xFFFFFFFF  }
0xb3: {  	s25 =	simm.s32 $0x1B8E;
	s24 =	sld [smem:$0x3FFE];
	[sflag:s5] =	ssyncadd.remote.s32 @!p0 $0x1  }
0xb4: {  	s26 =	simm.s32 $execute0_lowered;
	[smem:$0x3FD2] =	sst s25  }
0xb5: {  	s6 =	sshll.u32 s26, $0x1;
	_ =	strace $0x80000049;
	[dreg:$0x1] =	wrdreg $0xFFFFFFFF  }
0xb6: {  	s28 =	simm.s32 $_size_execute0_lowered;
	s4 =	sadd.s32 s4, s6;
	[dreg:$0x0] =	wrdreg $0x0  }
0xb7: {  	s6 =	sshll.u32 s28, $0x1;
	[dreg:$0x2] =	wrdreg s4  }
0xb8: {  	[dreg:$0x3] =	wrdreg s6  }
0xb9: {  	[dreg:$0x4] =	wrdreg $0xC0  }
0xba: {  	_ =	task [dreg:s22], $0x5FFFF  }
0xbb: {  	[dreg:$0x1] =	wrdreg $0xFFFFFFFF  }
0xbc: {  	[dreg:$0x0] =	wrdreg $0x60  }
0xbd: {  	[dreg:$0x2] =	wrdreg s18  }
0xbe: {  	[dreg:$0x3] =	wrdreg s24  }
0xbf: {  	[dreg:$0x4] =	wrdreg $0xA  }
0xc0: {  	_ =	task.clear_ibuf [dreg:s22], $0x5FFFF;
	_ =	strace $0x90000049  }
0xc1: {  	s29 =	simm.s32 $0xA;
	_ =	strace $0x8000004B  }
0xc2: {  	_ =	swait.ge [sflag:s29], $0x1  }
0xc3: {  	[sflag:s29] =	ssyncadd.s32 $0xFFFFFFFF  }
0xc4: {  	_ =	strace $0x9000004B  }
0xc5: {  	_ =	sfence  }
0xc6: {  	s30 =	sld [smem:$0x0];
	_ =	sdelay $0x2  }
0xc7: {  	s31 =	sshll.u32 s1, $0xD;
	s1 =	sshrl.u32 s1, $0x2  }
0xc8: {  	s4 =	sand.u32 $0x4000, s31;
	s1 =	sadd.s32 s1, s30  }
0xc9: {  	s0 =	sor.u32 s4, s0;
	s1 =	sshll.u32 s1, $0x11  }
0xca: {  	s0 =	sor.u32 s1, s0  }
0xcb: {  	s0 =	sadd.s32 $0x8F2B, s0  }
0xcc: {  	[sflag:s0] =	ssyncadd.remote.s32 $0x1  }
0xcd: {  	_ =	sfence.sel $0xFFFF  }
0xce: {  	[dreg:$0x0] =	wrdreg $0xFFFFFFFF;
	(pc) =	sbr.abs _section_cstart, $3  }
0xcf: {  	[dreg:$0x1] =	wrdreg $0xFFFFFFFF  }
0xd0: {  	_ =	task.clear_ibuf [dreg:s22], $0x2FFFF;
	_ =	strace $0x9FFFFFFF  }
0xd1: {  	(tm) =	ssettm $0x7FFFFFFF  }
tec
execute0_lowered:
.L_overlay_start_1:
0x0: {  	(tag) =	ssettag $0x1  }
0x1: {  	s2 =	rddreg [dreg:$0x0]  }
0x2: {  	s10 =	rddreg [dreg:$0x1];
	s3 =	srdreg.scid  }
0x3: {  	s0 =	rddreg [dreg:$0x2];
	s1 =	stileid.u32;
	s19 =	sand.u32 $0x1, s3  }
0x4: {  	s3 =	simm.s32 $0x0;
	s4 =	sshll.u32 s1, $0xE;
	s5 =	sshll.u32 s19, $0xD  }
0x5: {  	s13 =	sadd.s32 $0xC3C00, s10;
	[smem:$0x7FF] =	sst s3;
	s12 =	sor.u32 s5, s4  }
0x6: {  	_ =	strace $0x8000004A;
	s5 =	simm.s32 $0x1;
	s4 =	sadd.s32 s13, s12  }
0x7: {  	[tilespmem:s3], [sflag:$0x1] =	stream.linear.gather [hbm4b:s4+s3], $0x4000, $0x38;
	[tilespmem:$0x10000] =	vst v63  }
0x8: {  	_ =	swait.ge [sflag:s5], $0x4000  }
0x9: {  	s6 =	simm.s32 $0x4000;
	[sflag:s5] =	ssyncset.done $0x0  }
0xa: {  	s7 =	simm.s32 $0x8000;
	s16 =	sadd.s32 $0xC4400, s10;
	[sflag:s5] =	ssyncadd.s32 $0xFFFFC000  }
0xb: {  	[tilespmem:s7], [sflag:$0x3] =	stream.indirect.gather [hbm4b:s2+s6], $0x1, s3, s6, $0xb8;
	[tilespmem:$0x10000] =	vst v63  }
0xc: {  	s9 =	simm.s32 $0x3;
	s8 =	sadd.s32 s12, s16  }
0xd: {  	[tilespmem:s6], [sflag:$0x2] =	stream.linear.gather [hbm4b:s8+s3], $0x4000, $0x38;
	[tilespmem:$0x10000] =	vst v63  }
0xe: {  	_ =	swait.ge [sflag:s9], $0x4000  }
0xf: {  	s17 =	sadd.s32 $0x103C00, s10;
	[sflag:s9] =	ssyncset.done $0x0  }
0x10: {  	s11 =	simm.s32 $0x2;
	s10 =	sadd.s32 s17, s12;
	[sflag:s9] =	ssyncadd.s32 $0xFFFFC000  }
0x11: {  	[hbm4b:s10+s3] =	stream.linear.scatter [tilespmem:s7], [sflag:$0x4], $0x4000, $0x38;
	[tilespmem:$0x10000] =	vst v63  }
0x12: {  	_ =	swait.ge [sflag:s11], $0x4000  }
0x13: {  	[sflag:s11] =	ssyncset.done $0x0  }
0x14: {  	s18 =	sor.u32 $0x1000, s12;
	s12 =	simm.s32 $0xC000;
	[sflag:s11] =	ssyncadd.s32 $0xFFFFC000  }
0x15: {  	[tilespmem:s12], [sflag:$0x3] =	stream.indirect.gather [hbm4b:s2+s6], $0x1, s6, s6, $0xb8;
	[tilespmem:$0x10000] =	vst v63  }
0x16: {  	s13 =	sadd.s32 s13, s18  }
0x17: {  	[tilespmem:s3], [sflag:$0x1] =	stream.linear.gather [hbm4b:s13+s3], $0x4000, $0x38;
	[tilespmem:$0x10000] =	vst v63  }
0x18: {  	_ =	swait.ge [sflag:s9], $0x4000  }
0x19: {  	[sflag:s9] =	ssyncset.done $0x0  }
0x1a: {  	s15 =	simm.s32 $0x4;
	s14 =	sadd.s32 $0x800, s10;
	[sflag:s9] =	ssyncadd.s32 $0xFFFFC000  }
0x1b: {  	[hbm4b:s14+s3] =	stream.linear.scatter [tilespmem:s12], [sflag:$0x5], $0x4000, $0x38;
	[tilespmem:$0x10000] =	vst v63  }
0x1c: {  	_ =	swait.ge [sflag:s15], $0x4000  }
0x1d: {  	[sflag:s15] =	ssyncset.done $0x0  }
0x1e: {  	[sflag:s15] =	ssyncadd.s32 $0xFFFFC000  }
0x1f: {  	_ =	swait.ge [sflag:s5], $0x4000  }
0x20: {  	[sflag:s5] =	ssyncset.done $0x0  }
0x21: {  	[sflag:s5] =	ssyncadd.s32 $0xFFFFC000  }
0x22: {  	[tilespmem:s7], [sflag:$0x3] =	stream.indirect.gather [hbm4b:s2+s6], $0x1, s3, s6, $0xb8;
	[tilespmem:$0x10000] =	vst v63  }
0x23: {  	s16 =	sadd.s32 s18, s16  }
0x24: {  	[tilespmem:s6], [sflag:$0x2] =	stream.linear.gather [hbm4b:s16+s3], $0x4000, $0x38;
	[tilespmem:$0x10000] =	vst v63  }
0x25: {  	_ =	swait.ge [sflag:s9], $0x4000  }
0x26: {  	[sflag:s9] =	ssyncset.done $0x0  }
0x27: {  	s18 =	sadd.s32 s17, s18;
	s17 =	simm.s32 $0x5;
	[sflag:s9] =	ssyncadd.s32 $0xFFFFC000  }
0x28: {  	[hbm4b:s18+s3] =	stream.linear.scatter [tilespmem:s7], [sflag:$0x4], $0x4000, $0x38;
	[tilespmem:$0x10000] =	vst v63  }
0x29: {  	_ =	swait.ge [sflag:s17], $0x4000  }
0x2a: {  	[sflag:s17] =	ssyncset.done $0x0  }
0x2b: {  	[sflag:s17] =	ssyncadd.s32 $0xFFFFC000  }
0x2c: {  	_ =	swait.ge [sflag:s11], $0x4000  }
0x2d: {  	s20 =	ssub.s32 $0x2, s19;
	[sflag:s11] =	ssyncset.done $0x0  }
0x2e: {  	s21 =	sshrl.u32 s20, $0x1;
	[sflag:s11] =	ssyncadd.s32 $0xFFFFC000  }
0x2f: {  	[tilespmem:s12], [sflag:$0x3] =	stream.indirect.gather [hbm4b:s2+s6], $0x1, s6, s6, $0xb8;
	[tilespmem:$0x10000] =	vst v63  }
0x30: {  	s20 =	ssub.s32 s20, s21;
	_ =	swait.ge [sflag:s9], $0x4000  }
0x31: {  	s20 =	smax.u32 s20, $0x1;
	[sflag:s9] =	ssyncset.done $0x0  }
0x32: {  	s19 =	sadd.s32 $0x1800, s10;
	p0 =	sne.s32 s20, $0x1;
	[sflag:s9] =	ssyncadd.s32 $0xFFFFC000  }
0x33: {  	[hbm4b:s19+s3] =	stream.linear.scatter [tilespmem:s12], [sflag:$0x5], $0x4000, $0x38;
	[tilespmem:$0x10000] =	vst v63  }
.Ltmp0:
0x34: {  	_ =	swait.ge [sflag:s15], $0x4000;
	(pc) =	sbr.rel @!p0 .LBB2_2-.Ltmp0, $4  }
0x35: {  	[sflag:s15] =	ssyncset.done $0x0  }
0x36: {  	[sflag:s15] =	ssyncadd.s32 $0xFFFFC000  }
0x37: {  	_ =	swait.ge [sflag:s17], $0x4000  }
0x38: {  	s20 =	sadd.s32 $0xFFFFFFFF, s20;
	[sflag:s17] =	ssyncset.done $0x0  }
.LBB2_1:
0x39: {  	p0 =	sne.s32 s20, $0x1;
	s20 =	sadd.s32 $0xFFFFFFFF, s20;
	[sflag:s17] =	ssyncadd.s32 $0xFFFFC000  }
0x3a: {  	[tilespmem:s3], [sflag:$0x1] =	stream.linear.gather [hbm4b:s4+s3], $0x4000, $0x38;
	[tilespmem:$0x10000] =	vst v63  }
0x3b: {  	_ =	swait.ge [sflag:s5], $0x4000  }
0x3c: {  	[sflag:s5] =	ssyncset.done $0x0  }
0x3d: {  	[sflag:s5] =	ssyncadd.s32 $0xFFFFC000  }
0x3e: {  	[tilespmem:s7], [sflag:$0x3] =	stream.indirect.gather [hbm4b:s2+s6], $0x1, s3, s6, $0xb8;
	[tilespmem:$0x10000] =	vst v63  }
0x3f: {  	_ = 	snop  }
0x40: {  	[tilespmem:s6], [sflag:$0x2] =	stream.linear.gather [hbm4b:s8+s3], $0x4000, $0x38;
	[tilespmem:$0x10000] =	vst v63  }
0x41: {  	_ =	swait.ge [sflag:s9], $0x4000  }
0x42: {  	[sflag:s9] =	ssyncset.done $0x0  }
0x43: {  	[sflag:s9] =	ssyncadd.s32 $0xFFFFC000  }
0x44: {  	[hbm4b:s10+s3] =	stream.linear.scatter [tilespmem:s7], [sflag:$0x4], $0x4000, $0x38;
	[tilespmem:$0x10000] =	vst v63  }
0x45: {  	_ =	swait.ge [sflag:s11], $0x4000  }
0x46: {  	[sflag:s11] =	ssyncset.done $0x0  }
0x47: {  	[sflag:s11] =	ssyncadd.s32 $0xFFFFC000  }
0x48: {  	[tilespmem:s12], [sflag:$0x3] =	stream.indirect.gather [hbm4b:s2+s6], $0x1, s6, s6, $0xb8;
	[tilespmem:$0x10000] =	vst v63  }
0x49: {  	_ = 	snop  }
0x4a: {  	[tilespmem:s3], [sflag:$0x1] =	stream.linear.gather [hbm4b:s13+s3], $0x4000, $0x38;
	[tilespmem:$0x10000] =	vst v63  }
0x4b: {  	_ =	swait.ge [sflag:s9], $0x4000  }
0x4c: {  	[sflag:s9] =	ssyncset.done $0x0  }
0x4d: {  	[sflag:s9] =	ssyncadd.s32 $0xFFFFC000  }
0x4e: {  	[hbm4b:s14+s3] =	stream.linear.scatter [tilespmem:s12], [sflag:$0x5], $0x4000, $0x38;
	[tilespmem:$0x10000] =	vst v63  }
0x4f: {  	_ =	swait.ge [sflag:s15], $0x4000  }
0x50: {  	[sflag:s15] =	ssyncset.done $0x0  }
0x51: {  	[sflag:s15] =	ssyncadd.s32 $0xFFFFC000  }
0x52: {  	_ =	swait.ge [sflag:s5], $0x4000  }
0x53: {  	[sflag:s5] =	ssyncset.done $0x0  }
0x54: {  	[sflag:s5] =	ssyncadd.s32 $0xFFFFC000  }
0x55: {  	[tilespmem:s7], [sflag:$0x3] =	stream.indirect.gather [hbm4b:s2+s6], $0x1, s3, s6, $0xb8;
	[tilespmem:$0x10000] =	vst v63  }
0x56: {  	_ = 	snop  }
0x57: {  	[tilespmem:s6], [sflag:$0x2] =	stream.linear.gather [hbm4b:s16+s3], $0x4000, $0x38;
	[tilespmem:$0x10000] =	vst v63  }
0x58: {  	_ =	swait.ge [sflag:s9], $0x4000  }
0x59: {  	[sflag:s9] =	ssyncset.done $0x0  }
0x5a: {  	[sflag:s9] =	ssyncadd.s32 $0xFFFFC000  }
0x5b: {  	[hbm4b:s18+s3] =	stream.linear.scatter [tilespmem:s7], [sflag:$0x4], $0x4000, $0x38;
	[tilespmem:$0x10000] =	vst v63  }
0x5c: {  	_ =	swait.ge [sflag:s17], $0x4000  }
0x5d: {  	[sflag:s17] =	ssyncset.done $0x0  }
0x5e: {  	[sflag:s17] =	ssyncadd.s32 $0xFFFFC000  }
0x5f: {  	_ =	swait.ge [sflag:s11], $0x4000  }
0x60: {  	[sflag:s11] =	ssyncset.done $0x0  }
0x61: {  	[sflag:s11] =	ssyncadd.s32 $0xFFFFC000  }
0x62: {  	[tilespmem:s12], [sflag:$0x3] =	stream.indirect.gather [hbm4b:s2+s6], $0x1, s6, s6, $0xb8;
	[tilespmem:$0x10000] =	vst v63  }
0x63: {  	_ =	swait.ge [sflag:s9], $0x4000  }
0x64: {  	[sflag:s9] =	ssyncset.done $0x0  }
0x65: {  	[sflag:s9] =	ssyncadd.s32 $0xFFFFC000  }
0x66: {  	[hbm4b:s19+s3] =	stream.linear.scatter [tilespmem:s12], [sflag:$0x5], $0x4000, $0x38;
	[tilespmem:$0x10000] =	vst v63  }
.Ltmp1:
0x67: {  	_ =	swait.ge [sflag:s15], $0x4000;
	(pc) =	sbr.rel @p0 .LBB2_1-.Ltmp1, $4  }
0x68: {  	[sflag:s15] =	ssyncset.done $0x0  }
0x69: {  	[sflag:s15] =	ssyncadd.s32 $0xFFFFC000  }
0x6a: {  	_ =	swait.ge [sflag:s17], $0x4000  }
0x6b: {  	[sflag:s17] =	ssyncset.done $0x0  }
.LBB2_2:
0x6c: {  	[sflag:s17] =	ssyncadd.s32 $0xFFFFC000  }
0x6d: {  	_ =	sfence.sel $0x180000  }
0x6e: {  	[bflag:$0x0] =	sbarrier.arrive $0xFFFF  }
0x6f: {  	p0 =	sne.s32 s1, $0x0;
	_ =	strace $0x9000004A  }
0x70: {  	s0 =	sadd.s32 @!p0 $0x100000, s0;
	[bflag:$0x2] =	sbarrier.arrive $0xFFFF  }
0x71: {  	[sflag:s0] =	ssyncadd.tile.s32 @!p0 $0x1;
	_ =	shalt  }
.Lfunc_end2:
_tile_overlayer_lowered:
.L_overlay_start_2:
0x72: {  	(tag) =	ssettag $0x2  }
0x73: {  	s0 =	rddreg [dreg:$0x0];
	s2 =	stileid.u32  }
0x74: {  	s1 =	rddreg [dreg:$0x1];
	p0 =	sne.s32 s2, $0x0  }
0x75: {  	s3 =	rddreg [dreg:$0x2];
	[bflag:$0x3] =	sbarrier.arrive $0xFFFF;
	s2 =	simm.s32 @!p0 $0x1C06  }
0x76: {  	[timem:s3], [sflag:s2] =	dma.local @!p0 [hbm:s0], s1  }
0x77: {  	s0 =	simm.s32 @!p0 $0x6  }
0x78: {  	_ =	swait.ge @!p0 [sflag:s0], s1  }
0x79: {  	s1 =	ssub.s32 @!p0 $0x0, s1;
	[sflag:s0] =	ssyncset.done @!p0 $0x0  }
0x7a: {  	[sflag:s0] =	ssyncadd.s32 @!p0 s1  }
0x7b: {  	[bflag:$0x3] =	sbarrier.arrive $0xFFFF  }
0x7c: {  	_ =	shalt  }

</sc_bundles>
